<compile_context>
chip_gen: v7x
topology: tpu7x:2x2x1
jax: 0.10.2.dev20260603
libtpu: 0.0.44.dev20260713+nightly
codegen_flags: <defaults>
</compile_context>

<pallas_src>
import jax
import jax.numpy as jnp
from jax.experimental import pallas as pl
from jax.experimental.pallas import tpu as pltpu

_NB_KNN = (10, 20, 100, 200)
_MAX_K = 200
_TEMP = 0.07
_NUM_CLASSES = 1000
_CCHUNK = 128
_QB = 256


def _matmul_body(f_ref, t_ref, o_ref):
    o_ref[...] = jax.lax.dot_general(
        f_ref[...], t_ref[...],
        dimension_numbers=(((1,), (1,)), ((), ())),
        preferred_element_type=jnp.float32,
    )


def _similarity(features_rank, train_features):
    q, d = features_rank.shape
    n = train_features.shape[0]
    nb = 2048
    num_blocks = pl.cdiv(n, nb)
    return pl.pallas_call(
        _matmul_body,
        grid=(num_blocks,),
        in_specs=[
            pl.BlockSpec((q, d), lambda i: (0, 0)),
            pl.BlockSpec((nb, d), lambda i: (i, 0)),
        ],
        out_specs=pl.BlockSpec((q, nb), lambda i: (0, i)),
        out_shape=jax.ShapeDtypeStruct((q, n), jnp.float32),
    )(features_rank, train_features)


def _vote_body(s_ref, l_ref, o10, o20, o100, o200, w_ref):
    s = s_ref[...] * (1.0 / _TEMP)
    m = jnp.max(s, axis=0, keepdims=True)
    e = jnp.exp(s - m)
    w_ref[...] = e / jnp.sum(e, axis=0, keepdims=True)
    qb = s.shape[1]
    outs = {10: o10, 20: o20, 100: o100, 200: o200}
    for cls0 in range(0, _NUM_CLASSES, _CCHUNK):
        csz = min(_CCHUNK, _NUM_CLASSES - cls0)
        cid = jax.lax.broadcasted_iota(jnp.int32, (csz, 1), 0) + cls0

        def step(j, acc):
            lab_j = l_ref[pl.ds(j, 1), :]
            w_j = w_ref[pl.ds(j, 1), :]
            return acc + jnp.where(cid == lab_j, w_j, 0.0)

        acc = jnp.zeros((csz, qb), jnp.float32)
        prev = 0
        for k in _NB_KNN:
            acc = jax.lax.fori_loop(prev, k, step, acc)
            outs[k][pl.ds(cls0, csz), :] = acc
            prev = k


def _vote(topk_sims, labels):
    q, k = topk_sims.shape
    grid = (q // _QB,)
    outs = pl.pallas_call(
        _vote_body,
        grid=grid,
        in_specs=[
            pl.BlockSpec((k, _QB), lambda i: (0, i)),
            pl.BlockSpec((k, _QB), lambda i: (0, i)),
        ],
        out_specs=[pl.BlockSpec((_NUM_CLASSES, _QB), lambda i: (0, i))] * 4,
        out_shape=[jax.ShapeDtypeStruct((_NUM_CLASSES, q), jnp.float32)] * 4,
        scratch_shapes=[pltpu.VMEM((k, _QB), jnp.float32)],
    )(topk_sims.T, labels.T)
    return tuple(o.T for o in outs)


def kernel(features_rank, train_features, train_labels):
    similarity = _similarity(features_rank, train_features)
    q, n = similarity.shape
    vals = similarity
    idx = None
    for chunk in (1000, 2000):
        m = vals.shape[1]
        if m % chunk or m <= 2 * chunk:
            break
        nchunks = m // chunk
        v1, i1 = jax.lax.top_k(vals.reshape(q, nchunks, chunk), _MAX_K)
        base = (jnp.arange(nchunks, dtype=i1.dtype) * chunk)[None, :, None]
        pos = (i1 + base).reshape(q, nchunks * _MAX_K)
        vals = v1.reshape(q, nchunks * _MAX_K)
        idx = pos if idx is None else jnp.take_along_axis(idx, pos, axis=1)
    topk_sims, i2 = jax.lax.top_k(vals, _MAX_K)
    if idx is None:
        indices = i2
    else:
        indices = jnp.take_along_axis(idx, i2, axis=1)
    neighbors_labels = jnp.take(train_labels, indices)
    return _vote(topk_sims, neighbors_labels)

# --- scband reference (transcript-rebuilt; emitter-appended) ---
"""Pipeline reference for scband-eval-module-32615981646214 (READ-ONLY COPY).

The authoritative reference and input builder live on the scoring server;
editing this copy changes nothing except your own understanding.
"""

import jax, jax.numpy as jnp
import numpy as np

NB_KNN = (10, 20, 100, 200)
MAX_K = 200
TEMP = 0.07
NUM_CLASSES = 1000
Q = 1024
N_TRAIN = 100000
D = 1024


def setup_inputs(seed: int = 0) -> dict:
    key = jax.random.key(seed)
    k1, k2, k3 = jax.random.split(key, 3)
    features_rank = jax.random.normal(k1, (Q, D), dtype=jnp.float32)
    features_rank = features_rank / (jnp.linalg.norm(features_rank, axis=1, keepdims=True) + 1e-12)
    train_features = jax.random.normal(k2, (N_TRAIN, D), dtype=jnp.float32)
    train_features = train_features / (jnp.linalg.norm(train_features, axis=1, keepdims=True) + 1e-12)
    train_labels = jax.random.randint(k3, (N_TRAIN,), 0, NUM_CLASSES, dtype=jnp.int32)
    return {
        "features_rank": features_rank,
        "train_features": train_features,
        "train_labels": train_labels,
    }


def reference(features_rank, train_features, train_labels):
    # similarity: queries vs all train features (single-rank equivalent of
    # KnnModule.compute_neighbors: mm(broadcasted, train_features_rank_T))
    similarity = features_rank @ train_features.T  # [Q, N_TRAIN]
    # top-k sims and gather corresponding candidate labels
    topk_sims, indices = jax.lax.top_k(similarity, MAX_K)  # [Q, MAX_K]
    neighbors_labels = jnp.take(train_labels, indices)  # gather labels, [Q, MAX_K]
    # softmax over neighbors with temperature
    batch_size = neighbors_labels.shape[0]
    topk_sims_transform = jax.nn.softmax(topk_sims / TEMP, axis=1)
    # one-hot weighted vote
    one_hot = jax.nn.one_hot(neighbors_labels, NUM_CLASSES, dtype=topk_sims.dtype)  # [Q, MAX_K, C]
    matmul = one_hot * topk_sims_transform.reshape(batch_size, -1, 1)
    # probas for each k in nb_knn
    probas_for_k = tuple(jnp.sum(matmul[:, :k, :], axis=1) for k in NB_KNN)
    return probas_for_k

if __name__ == "__main__":
    import jax
    _d = setup_inputs()
    print(jax.jit(kernel)(*tuple(_d.values())))

</pallas_src>

<mosaic_0001>
module attributes {stable_mosaic.version = 14 : i64} {
  func.func @_matmul_body(%arg0: i32, %arg1: memref<1024x1024xf32, #tpu.memory_space<vmem>>, %arg2: memref<2048x1024xf32, #tpu.memory_space<vmem>>, %arg3: memref<1024x2048xf32, #tpu.memory_space<vmem>>) attributes {dimension_semantics = [#tpu.dimension_semantics<arbitrary>], iteration_bounds = array<i64: 49>, scalar_prefetch = 0 : i64, scratch_operands = 0 : i64, tpu.core_type = #tpu.core_type<tc>, window_params = [{pipeline_mode = #tpu.pipeline_mode<synchronous>, transform_indices = @transform_0, window_bounds = array<i64: 1024, 1024>}, {transform_indices = @transform_1, window_bounds = array<i64: 2048, 1024>}, {transform_indices = @transform_2, window_bounds = array<i64: 1024, 2048>}]} {
    %get3A = arith.constant 0 : index
    %get3A_0 = arith.constant 0 : index
    %get3A_1 = vector.load %arg1[%get3A, %get3A_0] : memref<1024x1024xf32, #tpu.memory_space<vmem>>, vector<1024x1024xf32>
    %get3A_2 = arith.constant 0 : index
    %get3A_3 = arith.constant 0 : index
    %get3A_4 = vector.load %arg2[%get3A_2, %get3A_3] : memref<2048x1024xf32, #tpu.memory_space<vmem>>, vector<2048x1024xf32>
    %dot_general3A = arith.constant dense<0.000000e+00> : vector<1024x2048xf32>
    %dot_general3A_5 = tpu.matmul %get3A_1, %get3A_4, %dot_general3A {dimension_numbers = #tpu.dot_dimension_numbers<[1], [1], [0], [0], [0, 0, 1, 0], [], []>, transpose_lhs_hint = false} : vector<1024x1024xf32>, vector<2048x1024xf32>, vector<1024x2048xf32> -> vector<1024x2048xf32>
    %swap3A = arith.constant 0 : index
    %swap3A_6 = arith.constant 0 : index
    %swap3A_7 = vector.load %arg3[%swap3A, %swap3A_6] : memref<1024x2048xf32, #tpu.memory_space<vmem>>, vector<1024x2048xf32>
    tpu.vector_store %arg3[%swap3A, %swap3A_6], %dot_general3A_5 {strides = array<i32>} : memref<1024x2048xf32, #tpu.memory_space<vmem>>, vector<1024x2048xf32>,
    return
  }
  func.func @transform_0(%arg0: i32) -> (i32, i32) {
    %c0_i32 = arith.constant 0 : i32
    %c0_i32_0 = arith.constant 0 : i32
    %c0_i32_1 = arith.constant 0 : i32
    return %c0_i32, %c0_i32_0 : i32, i32
  }
  func.func @transform_1(%arg0: i32) -> (i32, i32) {
    %c0_i32 = arith.constant 0 : i32
    %c0_i32_0 = arith.constant 0 : i32
    return %arg0, %c0_i32 : i32, i32
  }
  func.func @transform_2(%arg0: i32) -> (i32, i32) {
    %c0_i32 = arith.constant 0 : i32
    %c0_i32_0 = arith.constant 0 : i32
    return %c0_i32, %arg0 : i32, i32
  }
}

module attributes {stable_mosaic.version = 14 : i64} {
  func.func @_vote_body(%arg0: i32, %arg1: memref<200x256xf32, #tpu.memory_space<vmem>>, %arg2: memref<200x256xi32, #tpu.memory_space<vmem>>, %arg3: memref<1000x256xf32, #tpu.memory_space<vmem>>, %arg4: memref<1000x256xf32, #tpu.memory_space<vmem>>, %arg5: memref<1000x256xf32, #tpu.memory_space<vmem>>, %arg6: memref<1000x256xf32, #tpu.memory_space<vmem>>, %arg7: memref<200x256xf32, #tpu.memory_space<vmem>>) attributes {dimension_semantics = [#tpu.dimension_semantics<arbitrary>], iteration_bounds = array<i64: 4>, scalar_prefetch = 0 : i64, scratch_operands = 1 : i64, tpu.core_type = #tpu.core_type<tc>, window_params = [{transform_indices = @transform_0, window_bounds = array<i64: 200, 256>}, {transform_indices = @transform_1, window_bounds = array<i64: 200, 256>}, {transform_indices = @transform_2, window_bounds = array<i64: 1000, 256>}, {transform_indices = @transform_3, window_bounds = array<i64: 1000, 256>}, {transform_indices = @transform_4, window_bounds = array<i64: 1000, 256>}, {transform_indices = @transform_5, window_bounds = array<i64: 1000, 256>}]} {
    %get3A = arith.constant 0 : index
    %get3A_0 = arith.constant 0 : index
    %get3A_1 = vector.load %arg1[%get3A, %get3A_0] : memref<200x256xf32, #tpu.memory_space<vmem>>, vector<200x256xf32>
    %mul3A = arith.constant 14.2857141 : f32
    %mul3A_2 = vector.broadcast %mul3A : f32 to vector<200x256xf32>
    %mul3A_3 = arith.mulf %get3A_1, %mul3A_2 : vector<200x256xf32>
    %reduce_max3A = arith.constant dense<0xFF800000> : vector<256xf32>
    %reduce_max3A_4 = vector.multi_reduction <maximumf>, %mul3A_3, %reduce_max3A [0] : vector<200x256xf32> to vector<256xf32>
    %broadcast_in_dim3A = vector.shape_cast %reduce_max3A_4 : vector<256xf32> to vector<1x256xf32>
    %sub3A = vector.broadcast %broadcast_in_dim3A : vector<1x256xf32> to vector<200x256xf32>
    %sub3A_5 = arith.subf %mul3A_3, %sub3A : vector<200x256xf32>
    %exp3A = math.exp %sub3A_5 : vector<200x256xf32>
    %reduce_sum3A = arith.constant dense<0.000000e+00> : vector<256xf32>
    %reduce_sum3A_6 = vector.multi_reduction <add>, %exp3A, %reduce_sum3A [0] : vector<200x256xf32> to vector<256xf32>
    %broadcast_in_dim3A_7 = vector.shape_cast %reduce_sum3A_6 : vector<256xf32> to vector<1x256xf32>
    %div3A = vector.broadcast %broadcast_in_dim3A_7 : vector<1x256xf32> to vector<200x256xf32>
    %div3A_8 = arith.divf %exp3A, %div3A : vector<200x256xf32>
    %swap3A = arith.constant 0 : index
    %swap3A_9 = arith.constant 0 : index
    %swap3A_10 = vector.load %arg7[%swap3A, %swap3A_9] : memref<200x256xf32, #tpu.memory_space<vmem>>, vector<200x256xf32>
    tpu.vector_store %arg7[%swap3A, %swap3A_9], %div3A_8 {strides = array<i32>} : memref<200x256xf32, #tpu.memory_space<vmem>>, vector<200x256xf32>,
    %iota3A = tpu.iota {dimensions = array<i32: 0>} : vector<128x1xi32>
    %add3A = arith.constant 0 : i32
    %add3A_11 = vector.broadcast %add3A : i32 to vector<128x1xi32>
    %add3A_12 = arith.addi %iota3A, %add3A_11 : vector<128x1xi32>
    %broadcast_in_dim3A_13 = arith.constant 0.000000e+00 : f32
    %broadcast_in_dim3A_14 = vector.broadcast %broadcast_in_dim3A_13 : f32 to vector<128x256xf32>
    %scan3A = arith.constant 0 : i32
    %scan3A_15 = arith.constant 10 : i32
    %scan3A_16 = arith.addi %scan3A, %scan3A_15 : i32
    %scan3A_17 = arith.constant 1 : i32
    %scan3A_18 = scf.for %scan3A_344 = %scan3A to %scan3A_16 step %scan3A_17 iter_args(%scan3A_345 = %broadcast_in_dim3A_14) -> (vector<128x256xf32>)  : i32 {
      %get3A_346 = arith.index_cast %scan3A_344 : i32 to index
      %get3A_347 = arith.constant 0 : index
      %get3A_348 = vector.load %arg2[%get3A_346, %get3A_347] : memref<200x256xi32, #tpu.memory_space<vmem>>, vector<1x256xi32>
      %get3A_349 = arith.index_cast %scan3A_344 : i32 to index
      %get3A_350 = arith.constant 0 : index
      %get3A_351 = vector.load %arg7[%get3A_349, %get3A_350] : memref<200x256xf32, #tpu.memory_space<vmem>>, vector<1x256xf32>
      %eq3A = vector.broadcast %add3A_12 : vector<128x1xi32> to vector<128x256xi32>
      %eq3A_352 = vector.broadcast %get3A_348 : vector<1x256xi32> to vector<128x256xi32>
      %eq3A_353 = arith.cmpi eq, %eq3A, %eq3A_352 : vector<128x256xi32>
      %jit3A = arith.constant 0.000000e+00 : f32
      %broadcast_in_dim3A_354 = vector.shape_cast %get3A_351 : vector<1x256xf32> to vector<1x256xf32>
      %broadcast_in_dim3A_355 = vector.broadcast %broadcast_in_dim3A_354 : vector<1x256xf32> to vector<128x256xf32>
      %broadcast_in_dim3A_356 = vector.broadcast %jit3A : f32 to vector<128x256xf32>
      %select_n3A = arith.select %eq3A_353, %broadcast_in_dim3A_355, %broadcast_in_dim3A_356 : vector<128x256xi1>, vector<128x256xf32>
      %add3A_357 = arith.addf %scan3A_345, %select_n3A : vector<128x256xf32>
      scf.yield %add3A_357 : vector<128x256xf32>
    }
    %scan3A_19 = arith.constant 10 : i32
    %swap3A_20 = arith.constant 0 : index
    %swap3A_21 = arith.constant 0 : index
    %swap3A_22 = vector.load %arg3[%swap3A_20, %swap3A_21] : memref<1000x256xf32, #tpu.memory_space<vmem>>, vector<128x256xf32>
    tpu.vector_store %arg3[%swap3A_20, %swap3A_21], %scan3A_18 {strides = array<i32>} : memref<1000x256xf32, #tpu.memory_space<vmem>>, vector<128x256xf32>,
    %scan3A_23 = arith.constant 10 : i32
    %scan3A_24 = arith.constant 10 : i32
    %scan3A_25 = arith.addi %scan3A_23, %scan3A_24 : i32
    %scan3A_26 = arith.constant 1 : i32
    %scan3A_27 = scf.for %scan3A_344 = %scan3A_23 to %scan3A_25 step %scan3A_26 iter_args(%scan3A_345 = %scan3A_18) -> (vector<128x256xf32>)  : i32 {
      %get3A_346 = arith.index_cast %scan3A_344 : i32 to index
      %get3A_347 = arith.constant 0 : index
      %get3A_348 = vector.load %arg2[%get3A_346, %get3A_347] : memref<200x256xi32, #tpu.memory_space<vmem>>, vector<1x256xi32>
      %get3A_349 = arith.index_cast %scan3A_344 : i32 to index
      %get3A_350 = arith.constant 0 : index
      %get3A_351 = vector.load %arg7[%get3A_349, %get3A_350] : memref<200x256xf32, #tpu.memory_space<vmem>>, vector<1x256xf32>
      %eq3A = vector.broadcast %add3A_12 : vector<128x1xi32> to vector<128x256xi32>
      %eq3A_352 = vector.broadcast %get3A_348 : vector<1x256xi32> to vector<128x256xi32>
      %eq3A_353 = arith.cmpi eq, %eq3A, %eq3A_352 : vector<128x256xi32>
      %jit3A = arith.constant 0.000000e+00 : f32
      %broadcast_in_dim3A_354 = vector.shape_cast %get3A_351 : vector<1x256xf32> to vector<1x256xf32>
      %broadcast_in_dim3A_355 = vector.broadcast %broadcast_in_dim3A_354 : vector<1x256xf32> to vector<128x256xf32>
      %broadcast_in_dim3A_356 = vector.broadcast %jit3A : f32 to vector<128x256xf32>
      %select_n3A = arith.select %eq3A_353, %broadcast_in_dim3A_355, %broadcast_in_dim3A_356 : vector<128x256xi1>, vector<128x256xf32>
      %add3A_357 = arith.addf %scan3A_345, %select_n3A : vector<128x256xf32>
      scf.yield %add3A_357 : vector<128x256xf32>
    }
    %scan3A_28 = arith.constant 10 : i32
    %swap3A_29 = arith.constant 0 : index
    %swap3A_30 = arith.constant 0 : index
    %swap3A_31 = vector.load %arg4[%swap3A_29, %swap3A_30] : memref<1000x256xf32, #tpu.memory_space<vmem>>, vector<128x256xf32>
    tpu.vector_store %arg4[%swap3A_29, %swap3A_30], %scan3A_27 {strides = array<i32>} : memref<1000x256xf32, #tpu.memory_space<vmem>>, vector<128x256xf32>,
    %scan3A_32 = arith.constant 20 : i32
    %scan3A_33 = arith.constant 80 : i32
    %scan3A_34 = arith.addi %scan3A_32, %scan3A_33 : i32
    %scan3A_35 = arith.constant 1 : i32
    %scan3A_36 = scf.for %scan3A_344 = %scan3A_32 to %scan3A_34 step %scan3A_35 iter_args(%scan3A_345 = %scan3A_27) -> (vector<128x256xf32>)  : i32 {
      %get3A_346 = arith.index_cast %scan3A_344 : i32 to index
      %get3A_347 = arith.constant 0 : index
      %get3A_348 = vector.load %arg2[%get3A_346, %get3A_347] : memref<200x256xi32, #tpu.memory_space<vmem>>, vector<1x256xi32>
      %get3A_349 = arith.index_cast %scan3A_344 : i32 to index
      %get3A_350 = arith.constant 0 : index
      %get3A_351 = vector.load %arg7[%get3A_349, %get3A_350] : memref<200x256xf32, #tpu.memory_space<vmem>>, vector<1x256xf32>
      %eq3A = vector.broadcast %add3A_12 : vector<128x1xi32> to vector<128x256xi32>
      %eq3A_352 = vector.broadcast %get3A_348 : vector<1x256xi32> to vector<128x256xi32>
      %eq3A_353 = arith.cmpi eq, %eq3A, %eq3A_352 : vector<128x256xi32>
      %jit3A = arith.constant 0.000000e+00 : f32
      %broadcast_in_dim3A_354 = vector.shape_cast %get3A_351 : vector<1x256xf32> to vector<1x256xf32>
      %broadcast_in_dim3A_355 = vector.broadcast %broadcast_in_dim3A_354 : vector<1x256xf32> to vector<128x256xf32>
      %broadcast_in_dim3A_356 = vector.broadcast %jit3A : f32 to vector<128x256xf32>
      %select_n3A = arith.select %eq3A_353, %broadcast_in_dim3A_355, %broadcast_in_dim3A_356 : vector<128x256xi1>, vector<128x256xf32>
      %add3A_357 = arith.addf %scan3A_345, %select_n3A : vector<128x256xf32>
      scf.yield %add3A_357 : vector<128x256xf32>
    }
    %scan3A_37 = arith.constant 80 : i32
    %swap3A_38 = arith.constant 0 : index
    %swap3A_39 = arith.constant 0 : index
    %swap3A_40 = vector.load %arg5[%swap3A_38, %swap3A_39] : memref<1000x256xf32, #tpu.memory_space<vmem>>, vector<128x256xf32>
    tpu.vector_store %arg5[%swap3A_38, %swap3A_39], %scan3A_36 {strides = array<i32>} : memref<1000x256xf32, #tpu.memory_space<vmem>>, vector<128x256xf32>,
    %scan3A_41 = arith.constant 100 : i32
    %scan3A_42 = arith.constant 100 : i32
    %scan3A_43 = arith.addi %scan3A_41, %scan3A_42 : i32
    %scan3A_44 = arith.constant 1 : i32
    %scan3A_45 = scf.for %scan3A_344 = %scan3A_41 to %scan3A_43 step %scan3A_44 iter_args(%scan3A_345 = %scan3A_36) -> (vector<128x256xf32>)  : i32 {
      %get3A_346 = arith.index_cast %scan3A_344 : i32 to index
      %get3A_347 = arith.constant 0 : index
      %get3A_348 = vector.load %arg2[%get3A_346, %get3A_347] : memref<200x256xi32, #tpu.memory_space<vmem>>, vector<1x256xi32>
      %get3A_349 = arith.index_cast %scan3A_344 : i32 to index
      %get3A_350 = arith.constant 0 : index
      %get3A_351 = vector.load %arg7[%get3A_349, %get3A_350] : memref<200x256xf32, #tpu.memory_space<vmem>>, vector<1x256xf32>
      %eq3A = vector.broadcast %add3A_12 : vector<128x1xi32> to vector<128x256xi32>
      %eq3A_352 = vector.broadcast %get3A_348 : vector<1x256xi32> to vector<128x256xi32>
      %eq3A_353 = arith.cmpi eq, %eq3A, %eq3A_352 : vector<128x256xi32>
      %jit3A = arith.constant 0.000000e+00 : f32
      %broadcast_in_dim3A_354 = vector.shape_cast %get3A_351 : vector<1x256xf32> to vector<1x256xf32>
      %broadcast_in_dim3A_355 = vector.broadcast %broadcast_in_dim3A_354 : vector<1x256xf32> to vector<128x256xf32>
      %broadcast_in_dim3A_356 = vector.broadcast %jit3A : f32 to vector<128x256xf32>
      %select_n3A = arith.select %eq3A_353, %broadcast_in_dim3A_355, %broadcast_in_dim3A_356 : vector<128x256xi1>, vector<128x256xf32>
      %add3A_357 = arith.addf %scan3A_345, %select_n3A : vector<128x256xf32>
      scf.yield %add3A_357 : vector<128x256xf32>
    }
    %scan3A_46 = arith.constant 100 : i32
    %swap3A_47 = arith.constant 0 : index
    %swap3A_48 = arith.constant 0 : index
    %swap3A_49 = vector.load %arg6[%swap3A_47, %swap3A_48] : memref<1000x256xf32, #tpu.memory_space<vmem>>, vector<128x256xf32>
    tpu.vector_store %arg6[%swap3A_47, %swap3A_48], %scan3A_45 {strides = array<i32>} : memref<1000x256xf32, #tpu.memory_space<vmem>>, vector<128x256xf32>,
    %iota3A_50 = tpu.iota {dimensions = array<i32: 0>} : vector<128x1xi32>
    %add3A_51 = arith.constant 128 : i32
    %add3A_52 = vector.broadcast %add3A_51 : i32 to vector<128x1xi32>
    %add3A_53 = arith.addi %iota3A_50, %add3A_52 : vector<128x1xi32>
    %broadcast_in_dim3A_54 = arith.constant 0.000000e+00 : f32
    %broadcast_in_dim3A_55 = vector.broadcast %broadcast_in_dim3A_54 : f32 to vector<128x256xf32>
    %scan3A_56 = arith.constant 0 : i32
    %scan3A_57 = arith.constant 10 : i32
    %scan3A_58 = arith.addi %scan3A_56, %scan3A_57 : i32
    %scan3A_59 = arith.constant 1 : i32
    %scan3A_60 = scf.for %scan3A_344 = %scan3A_56 to %scan3A_58 step %scan3A_59 iter_args(%scan3A_345 = %broadcast_in_dim3A_55) -> (vector<128x256xf32>)  : i32 {
      %get3A_346 = arith.index_cast %scan3A_344 : i32 to index
      %get3A_347 = arith.constant 0 : index
      %get3A_348 = vector.load %arg2[%get3A_346, %get3A_347] : memref<200x256xi32, #tpu.memory_space<vmem>>, vector<1x256xi32>
      %get3A_349 = arith.index_cast %scan3A_344 : i32 to index
      %get3A_350 = arith.constant 0 : index
      %get3A_351 = vector.load %arg7[%get3A_349, %get3A_350] : memref<200x256xf32, #tpu.memory_space<vmem>>, vector<1x256xf32>
      %eq3A = vector.broadcast %add3A_53 : vector<128x1xi32> to vector<128x256xi32>
      %eq3A_352 = vector.broadcast %get3A_348 : vector<1x256xi32> to vector<128x256xi32>
      %eq3A_353 = arith.cmpi eq, %eq3A, %eq3A_352 : vector<128x256xi32>
      %jit3A = arith.constant 0.000000e+00 : f32
      %broadcast_in_dim3A_354 = vector.shape_cast %get3A_351 : vector<1x256xf32> to vector<1x256xf32>
      %broadcast_in_dim3A_355 = vector.broadcast %broadcast_in_dim3A_354 : vector<1x256xf32> to vector<128x256xf32>
      %broadcast_in_dim3A_356 = vector.broadcast %jit3A : f32 to vector<128x256xf32>
      %select_n3A = arith.select %eq3A_353, %broadcast_in_dim3A_355, %broadcast_in_dim3A_356 : vector<128x256xi1>, vector<128x256xf32>
      %add3A_357 = arith.addf %scan3A_345, %select_n3A : vector<128x256xf32>
      scf.yield %add3A_357 : vector<128x256xf32>
    }
    %scan3A_61 = arith.constant 10 : i32
    %swap3A_62 = arith.constant 128 : index
    %swap3A_63 = arith.constant 0 : index
    %swap3A_64 = vector.load %arg3[%swap3A_62, %swap3A_63] : memref<1000x256xf32, #tpu.memory_space<vmem>>, vector<128x256xf32>
    tpu.vector_store %arg3[%swap3A_62, %swap3A_63], %scan3A_60 {strides = array<i32>} : memref<1000x256xf32, #tpu.memory_space<vmem>>, vector<128x256xf32>,
    %scan3A_65 = arith.constant 10 : i32
    %scan3A_66 = arith.constant 10 : i32
    %scan3A_67 = arith.addi %scan3A_65, %scan3A_66 : i32
    %scan3A_68 = arith.constant 1 : i32
    %scan3A_69 = scf.for %scan3A_344 = %scan3A_65 to %scan3A_67 step %scan3A_68 iter_args(%scan3A_345 = %scan3A_60) -> (vector<128x256xf32>)  : i32 {
      %get3A_346 = arith.index_cast %scan3A_344 : i32 to index
      %get3A_347 = arith.constant 0 : index
      %get3A_348 = vector.load %arg2[%get3A_346, %get3A_347] : memref<200x256xi32, #tpu.memory_space<vmem>>, vector<1x256xi32>
      %get3A_349 = arith.index_cast %scan3A_344 : i32 to index
      %get3A_350 = arith.constant 0 : index
      %get3A_351 = vector.load %arg7[%get3A_349, %get3A_350] : memref<200x256xf32, #tpu.memory_space<vmem>>, vector<1x256xf32>
      %eq3A = vector.broadcast %add3A_53 : vector<128x1xi32> to vector<128x256xi32>
      %eq3A_352 = vector.broadcast %get3A_348 : vector<1x256xi32> to vector<128x256xi32>
      %eq3A_353 = arith.cmpi eq, %eq3A, %eq3A_352 : vector<128x256xi32>
      %jit3A = arith.constant 0.000000e+00 : f32
      %broadcast_in_dim3A_354 = vector.shape_cast %get3A_351 : vector<1x256xf32> to vector<1x256xf32>
      %broadcast_in_dim3A_355 = vector.broadcast %broadcast_in_dim3A_354 : vector<1x256xf32> to vector<128x256xf32>
      %broadcast_in_dim3A_356 = vector.broadcast %jit3A : f32 to vector<128x256xf32>
      %select_n3A = arith.select %eq3A_353, %broadcast_in_dim3A_355, %broadcast_in_dim3A_356 : vector<128x256xi1>, vector<128x256xf32>
      %add3A_357 = arith.addf %scan3A_345, %select_n3A : vector<128x256xf32>
      scf.yield %add3A_357 : vector<128x256xf32>
    }
    %scan3A_70 = arith.constant 10 : i32
    %swap3A_71 = arith.constant 128 : index
    %swap3A_72 = arith.constant 0 : index
    %swap3A_73 = vector.load %arg4[%swap3A_71, %swap3A_72] : memref<1000x256xf32, #tpu.memory_space<vmem>>, vector<128x256xf32>
    tpu.vector_store %arg4[%swap3A_71, %swap3A_72], %scan3A_69 {strides = array<i32>} : memref<1000x256xf32, #tpu.memory_space<vmem>>, vector<128x256xf32>,
    %scan3A_74 = arith.constant 20 : i32
    %scan3A_75 = arith.constant 80 : i32
    %scan3A_76 = arith.addi %scan3A_74, %scan3A_75 : i32
    %scan3A_77 = arith.constant 1 : i32
    %scan3A_78 = scf.for %scan3A_344 = %scan3A_74 to %scan3A_76 step %scan3A_77 iter_args(%scan3A_345 = %scan3A_69) -> (vector<128x256xf32>)  : i32 {
      %get3A_346 = arith.index_cast %scan3A_344 : i32 to index
      %get3A_347 = arith.constant 0 : index
      %get3A_348 = vector.load %arg2[%get3A_346, %get3A_347] : memref<200x256xi32, #tpu.memory_space<vmem>>, vector<1x256xi32>
      %get3A_349 = arith.index_cast %scan3A_344 : i32 to index
      %get3A_350 = arith.constant 0 : index
      %get3A_351 = vector.load %arg7[%get3A_349, %get3A_350] : memref<200x256xf32, #tpu.memory_space<vmem>>, vector<1x256xf32>
      %eq3A = vector.broadcast %add3A_53 : vector<128x1xi32> to vector<128x256xi32>
      %eq3A_352 = vector.broadcast %get3A_348 : vector<1x256xi32> to vector<128x256xi32>
      %eq3A_353 = arith.cmpi eq, %eq3A, %eq3A_352 : vector<128x256xi32>
      %jit3A = arith.constant 0.000000e+00 : f32
      %broadcast_in_dim3A_354 = vector.shape_cast %get3A_351 : vector<1x256xf32> to vector<1x256xf32>
      %broadcast_in_dim3A_355 = vector.broadcast %broadcast_in_dim3A_354 : vector<1x256xf32> to vector<128x256xf32>
      %broadcast_in_dim3A_356 = vector.broadcast %jit3A : f32 to vector<128x256xf32>
      %select_n3A = arith.select %eq3A_353, %broadcast_in_dim3A_355, %broadcast_in_dim3A_356 : vector<128x256xi1>, vector<128x256xf32>
      %add3A_357 = arith.addf %scan3A_345, %select_n3A : vector<128x256xf32>
      scf.yield %add3A_357 : vector<128x256xf32>
    }
    %scan3A_79 = arith.constant 80 : i32
    %swap3A_80 = arith.constant 128 : index
    %swap3A_81 = arith.constant 0 : index
    %swap3A_82 = vector.load %arg5[%swap3A_80, %swap3A_81] : memref<1000x256xf32, #tpu.memory_space<vmem>>, vector<128x256xf32>
    tpu.vector_store %arg5[%swap3A_80, %swap3A_81], %scan3A_78 {strides = array<i32>} : memref<1000x256xf32, #tpu.memory_space<vmem>>, vector<128x256xf32>,
    %scan3A_83 = arith.constant 100 : i32
    %scan3A_84 = arith.constant 100 : i32
    %scan3A_85 = arith.addi %scan3A_83, %scan3A_84 : i32
    %scan3A_86 = arith.constant 1 : i32
    %scan3A_87 = scf.for %scan3A_344 = %scan3A_83 to %scan3A_85 step %scan3A_86 iter_args(%scan3A_345 = %scan3A_78) -> (vector<128x256xf32>)  : i32 {
      %get3A_346 = arith.index_cast %scan3A_344 : i32 to index
      %get3A_347 = arith.constant 0 : index
      %get3A_348 = vector.load %arg2[%get3A_346, %get3A_347] : memref<200x256xi32, #tpu.memory_space<vmem>>, vector<1x256xi32>
      %get3A_349 = arith.index_cast %scan3A_344 : i32 to index
      %get3A_350 = arith.constant 0 : index
      %get3A_351 = vector.load %arg7[%get3A_349, %get3A_350] : memref<200x256xf32, #tpu.memory_space<vmem>>, vector<1x256xf32>
      %eq3A = vector.broadcast %add3A_53 : vector<128x1xi32> to vector<128x256xi32>
      %eq3A_352 = vector.broadcast %get3A_348 : vector<1x256xi32> to vector<128x256xi32>
      %eq3A_353 = arith.cmpi eq, %eq3A, %eq3A_352 : vector<128x256xi32>
      %jit3A = arith.constant 0.000000e+00 : f32
      %broadcast_in_dim3A_354 = vector.shape_cast %get3A_351 : vector<1x256xf32> to vector<1x256xf32>
      %broadcast_in_dim3A_355 = vector.broadcast %broadcast_in_dim3A_354 : vector<1x256xf32> to vector<128x256xf32>
      %broadcast_in_dim3A_356 = vector.broadcast %jit3A : f32 to vector<128x256xf32>
      %select_n3A = arith.select %eq3A_353, %broadcast_in_dim3A_355, %broadcast_in_dim3A_356 : vector<128x256xi1>, vector<128x256xf32>
      %add3A_357 = arith.addf %scan3A_345, %select_n3A : vector<128x256xf32>
      scf.yield %add3A_357 : vector<128x256xf32>
    }
    %scan3A_88 = arith.constant 100 : i32
    %swap3A_89 = arith.constant 128 : index
    %swap3A_90 = arith.constant 0 : index
    %swap3A_91 = vector.load %arg6[%swap3A_89, %swap3A_90] : memref<1000x256xf32, #tpu.memory_space<vmem>>, vector<128x256xf32>
    tpu.vector_store %arg6[%swap3A_89, %swap3A_90], %scan3A_87 {strides = array<i32>} : memref<1000x256xf32, #tpu.memory_space<vmem>>, vector<128x256xf32>,
    %iota3A_92 = tpu.iota {dimensions = array<i32: 0>} : vector<128x1xi32>
    %add3A_93 = arith.constant 256 : i32
    %add3A_94 = vector.broadcast %add3A_93 : i32 to vector<128x1xi32>
    %add3A_95 = arith.addi %iota3A_92, %add3A_94 : vector<128x1xi32>
    %broadcast_in_dim3A_96 = arith.constant 0.000000e+00 : f32
    %broadcast_in_dim3A_97 = vector.broadcast %broadcast_in_dim3A_96 : f32 to vector<128x256xf32>
    %scan3A_98 = arith.constant 0 : i32
    %scan3A_99 = arith.constant 10 : i32
    %scan3A_100 = arith.addi %scan3A_98, %scan3A_99 : i32
    %scan3A_101 = arith.constant 1 : i32
    %scan3A_102 = scf.for %scan3A_344 = %scan3A_98 to %scan3A_100 step %scan3A_101 iter_args(%scan3A_345 = %broadcast_in_dim3A_97) -> (vector<128x256xf32>)  : i32 {
      %get3A_346 = arith.index_cast %scan3A_344 : i32 to index
      %get3A_347 = arith.constant 0 : index
      %get3A_348 = vector.load %arg2[%get3A_346, %get3A_347] : memref<200x256xi32, #tpu.memory_space<vmem>>, vector<1x256xi32>
      %get3A_349 = arith.index_cast %scan3A_344 : i32 to index
      %get3A_350 = arith.constant 0 : index
      %get3A_351 = vector.load %arg7[%get3A_349, %get3A_350] : memref<200x256xf32, #tpu.memory_space<vmem>>, vector<1x256xf32>
      %eq3A = vector.broadcast %add3A_95 : vector<128x1xi32> to vector<128x256xi32>
      %eq3A_352 = vector.broadcast %get3A_348 : vector<1x256xi32> to vector<128x256xi32>
      %eq3A_353 = arith.cmpi eq, %eq3A, %eq3A_352 : vector<128x256xi32>
      %jit3A = arith.constant 0.000000e+00 : f32
      %broadcast_in_dim3A_354 = vector.shape_cast %get3A_351 : vector<1x256xf32> to vector<1x256xf32>
      %broadcast_in_dim3A_355 = vector.broadcast %broadcast_in_dim3A_354 : vector<1x256xf32> to vector<128x256xf32>
      %broadcast_in_dim3A_356 = vector.broadcast %jit3A : f32 to vector<128x256xf32>
      %select_n3A = arith.select %eq3A_353, %broadcast_in_dim3A_355, %broadcast_in_dim3A_356 : vector<128x256xi1>, vector<128x256xf32>
      %add3A_357 = arith.addf %scan3A_345, %select_n3A : vector<128x256xf32>
      scf.yield %add3A_357 : vector<128x256xf32>
    }
    %scan3A_103 = arith.constant 10 : i32
    %swap3A_104 = arith.constant 256 : index
    %swap3A_105 = arith.constant 0 : index
    %swap3A_106 = vector.load %arg3[%swap3A_104, %swap3A_105] : memref<1000x256xf32, #tpu.memory_space<vmem>>, vector<128x256xf32>
    tpu.vector_store %arg3[%swap3A_104, %swap3A_105], %scan3A_102 {strides = array<i32>} : memref<1000x256xf32, #tpu.memory_space<vmem>>, vector<128x256xf32>,
    %scan3A_107 = arith.constant 10 : i32
    %scan3A_108 = arith.constant 10 : i32
    %scan3A_109 = arith.addi %scan3A_107, %scan3A_108 : i32
    %scan3A_110 = arith.constant 1 : i32
    %scan3A_111 = scf.for %scan3A_344 = %scan3A_107 to %scan3A_109 step %scan3A_110 iter_args(%scan3A_345 = %scan3A_102) -> (vector<128x256xf32>)  : i32 {
      %get3A_346 = arith.index_cast %scan3A_344 : i32 to index
      %get3A_347 = arith.constant 0 : index
      %get3A_348 = vector.load %arg2[%get3A_346, %get3A_347] : memref<200x256xi32, #tpu.memory_space<vmem>>, vector<1x256xi32>
      %get3A_349 = arith.index_cast %scan3A_344 : i32 to index
      %get3A_350 = arith.constant 0 : index
      %get3A_351 = vector.load %arg7[%get3A_349, %get3A_350] : memref<200x256xf32, #tpu.memory_space<vmem>>, vector<1x256xf32>
      %eq3A = vector.broadcast %add3A_95 : vector<128x1xi32> to vector<128x256xi32>
      %eq3A_352 = vector.broadcast %get3A_348 : vector<1x256xi32> to vector<128x256xi32>
      %eq3A_353 = arith.cmpi eq, %eq3A, %eq3A_352 : vector<128x256xi32>
      %jit3A = arith.constant 0.000000e+00 : f32
      %broadcast_in_dim3A_354 = vector.shape_cast %get3A_351 : vector<1x256xf32> to vector<1x256xf32>
      %broadcast_in_dim3A_355 = vector.broadcast %broadcast_in_dim3A_354 : vector<1x256xf32> to vector<128x256xf32>
      %broadcast_in_dim3A_356 = vector.broadcast %jit3A : f32 to vector<128x256xf32>
      %select_n3A = arith.select %eq3A_353, %broadcast_in_dim3A_355, %broadcast_in_dim3A_356 : vector<128x256xi1>, vector<128x256xf32>
      %add3A_357 = arith.addf %scan3A_345, %select_n3A : vector<128x256xf32>
      scf.yield %add3A_357 : vector<128x256xf32>
    }
    %scan3A_112 = arith.constant 10 : i32
    %swap3A_113 = arith.constant 256 : index
    %swap3A_114 = arith.constant 0 : index
    %swap3A_115 = vector.load %arg4[%swap3A_113, %swap3A_114] : memref<1000x256xf32, #tpu.memory_space<vmem>>, vector<128x256xf32>
    tpu.vector_store %arg4[%swap3A_113, %swap3A_114], %scan3A_111 {strides = array<i32>} : memref<1000x256xf32, #tpu.memory_space<vmem>>, vector<128x256xf32>,
    %scan3A_116 = arith.constant 20 : i32
    %scan3A_117 = arith.constant 80 : i32
    %scan3A_118 = arith.addi %scan3A_116, %scan3A_117 : i32
    %scan3A_119 = arith.constant 1 : i32
    %scan3A_120 = scf.for %scan3A_344 = %scan3A_116 to %scan3A_118 step %scan3A_119 iter_args(%scan3A_345 = %scan3A_111) -> (vector<128x256xf32>)  : i32 {
      %get3A_346 = arith.index_cast %scan3A_344 : i32 to index
      %get3A_347 = arith.constant 0 : index
      %get3A_348 = vector.load %arg2[%get3A_346, %get3A_347] : memref<200x256xi32, #tpu.memory_space<vmem>>, vector<1x256xi32>
      %get3A_349 = arith.index_cast %scan3A_344 : i32 to index
      %get3A_350 = arith.constant 0 : index
      %get3A_351 = vector.load %arg7[%get3A_349, %get3A_350] : memref<200x256xf32, #tpu.memory_space<vmem>>, vector<1x256xf32>
      %eq3A = vector.broadcast %add3A_95 : vector<128x1xi32> to vector<128x256xi32>
      %eq3A_352 = vector.broadcast %get3A_348 : vector<1x256xi32> to vector<128x256xi32>
      %eq3A_353 = arith.cmpi eq, %eq3A, %eq3A_352 : vector<128x256xi32>
      %jit3A = arith.constant 0.000000e+00 : f32
      %broadcast_in_dim3A_354 = vector.shape_cast %get3A_351 : vector<1x256xf32> to vector<1x256xf32>
      %broadcast_in_dim3A_355 = vector.broadcast %broadcast_in_dim3A_354 : vector<1x256xf32> to vector<128x256xf32>
      %broadcast_in_dim3A_356 = vector.broadcast %jit3A : f32 to vector<128x256xf32>
      %select_n3A = arith.select %eq3A_353, %broadcast_in_dim3A_355, %broadcast_in_dim3A_356 : vector<128x256xi1>, vector<128x256xf32>
      %add3A_357 = arith.addf %scan3A_345, %select_n3A : vector<128x256xf32>
      scf.yield %add3A_357 : vector<128x256xf32>
    }
    %scan3A_121 = arith.constant 80 : i32
    %swap3A_122 = arith.constant 256 : index
    %swap3A_123 = arith.constant 0 : index
    %swap3A_124 = vector.load %arg5[%swap3A_122, %swap3A_123] : memref<1000x256xf32, #tpu.memory_space<vmem>>, vector<128x256xf32>
    tpu.vector_store %arg5[%swap3A_122, %swap3A_123], %scan3A_120 {strides = array<i32>} : memref<1000x256xf32, #tpu.memory_space<vmem>>, vector<128x256xf32>,
    %scan3A_125 = arith.constant 100 : i32
    %scan3A_126 = arith.constant 100 : i32
    %scan3A_127 = arith.addi %scan3A_125, %scan3A_126 : i32
    %scan3A_128 = arith.constant 1 : i32
    %scan3A_129 = scf.for %scan3A_344 = %scan3A_125 to %scan3A_127 step %scan3A_128 iter_args(%scan3A_345 = %scan3A_120) -> (vector<128x256xf32>)  : i32 {
      %get3A_346 = arith.index_cast %scan3A_344 : i32 to index
      %get3A_347 = arith.constant 0 : index
      %get3A_348 = vector.load %arg2[%get3A_346, %get3A_347] : memref<200x256xi32, #tpu.memory_space<vmem>>, vector<1x256xi32>
      %get3A_349 = arith.index_cast %scan3A_344 : i32 to index
      %get3A_350 = arith.constant 0 : index
      %get3A_351 = vector.load %arg7[%get3A_349, %get3A_350] : memref<200x256xf32, #tpu.memory_space<vmem>>, vector<1x256xf32>
      %eq3A = vector.broadcast %add3A_95 : vector<128x1xi32> to vector<128x256xi32>
      %eq3A_352 = vector.broadcast %get3A_348 : vector<1x256xi32> to vector<128x256xi32>
      %eq3A_353 = arith.cmpi eq, %eq3A, %eq3A_352 : vector<128x256xi32>
      %jit3A = arith.constant 0.000000e+00 : f32
      %broadcast_in_dim3A_354 = vector.shape_cast %get3A_351 : vector<1x256xf32> to vector<1x256xf32>
      %broadcast_in_dim3A_355 = vector.broadcast %broadcast_in_dim3A_354 : vector<1x256xf32> to vector<128x256xf32>
      %broadcast_in_dim3A_356 = vector.broadcast %jit3A : f32 to vector<128x256xf32>
      %select_n3A = arith.select %eq3A_353, %broadcast_in_dim3A_355, %broadcast_in_dim3A_356 : vector<128x256xi1>, vector<128x256xf32>
      %add3A_357 = arith.addf %scan3A_345, %select_n3A : vector<128x256xf32>
      scf.yield %add3A_357 : vector<128x256xf32>
    }
    %scan3A_130 = arith.constant 100 : i32
    %swap3A_131 = arith.constant 256 : index
    %swap3A_132 = arith.constant 0 : index
    %swap3A_133 = vector.load %arg6[%swap3A_131, %swap3A_132] : memref<1000x256xf32, #tpu.memory_space<vmem>>, vector<128x256xf32>
    tpu.vector_store %arg6[%swap3A_131, %swap3A_132], %scan3A_129 {strides = array<i32>} : memref<1000x256xf32, #tpu.memory_space<vmem>>, vector<128x256xf32>,
    %iota3A_134 = tpu.iota {dimensions = array<i32: 0>} : vector<128x1xi32>
    %add3A_135 = arith.constant 384 : i32
    %add3A_136 = vector.broadcast %add3A_135 : i32 to vector<128x1xi32>
    %add3A_137 = arith.addi %iota3A_134, %add3A_136 : vector<128x1xi32>
    %broadcast_in_dim3A_138 = arith.constant 0.000000e+00 : f32
    %broadcast_in_dim3A_139 = vector.broadcast %broadcast_in_dim3A_138 : f32 to vector<128x256xf32>
    %scan3A_140 = arith.constant 0 : i32
    %scan3A_141 = arith.constant 10 : i32
    %scan3A_142 = arith.addi %scan3A_140, %scan3A_141 : i32
    %scan3A_143 = arith.constant 1 : i32
    %scan3A_144 = scf.for %scan3A_344 = %scan3A_140 to %scan3A_142 step %scan3A_143 iter_args(%scan3A_345 = %broadcast_in_dim3A_139) -> (vector<128x256xf32>)  : i32 {
      %get3A_346 = arith.index_cast %scan3A_344 : i32 to index
      %get3A_347 = arith.constant 0 : index
      %get3A_348 = vector.load %arg2[%get3A_346, %get3A_347] : memref<200x256xi32, #tpu.memory_space<vmem>>, vector<1x256xi32>
      %get3A_349 = arith.index_cast %scan3A_344 : i32 to index
      %get3A_350 = arith.constant 0 : index
      %get3A_351 = vector.load %arg7[%get3A_349, %get3A_350] : memref<200x256xf32, #tpu.memory_space<vmem>>, vector<1x256xf32>
      %eq3A = vector.broadcast %add3A_137 : vector<128x1xi32> to vector<128x256xi32>
      %eq3A_352 = vector.broadcast %get3A_348 : vector<1x256xi32> to vector<128x256xi32>
      %eq3A_353 = arith.cmpi eq, %eq3A, %eq3A_352 : vector<128x256xi32>
      %jit3A = arith.constant 0.000000e+00 : f32
      %broadcast_in_dim3A_354 = vector.shape_cast %get3A_351 : vector<1x256xf32> to vector<1x256xf32>
      %broadcast_in_dim3A_355 = vector.broadcast %broadcast_in_dim3A_354 : vector<1x256xf32> to vector<128x256xf32>
      %broadcast_in_dim3A_356 = vector.broadcast %jit3A : f32 to vector<128x256xf32>
      %select_n3A = arith.select %eq3A_353, %broadcast_in_dim3A_355, %broadcast_in_dim3A_356 : vector<128x256xi1>, vector<128x256xf32>
      %add3A_357 = arith.addf %scan3A_345, %select_n3A : vector<128x256xf32>
      scf.yield %add3A_357 : vector<128x256xf32>
    }
    %scan3A_145 = arith.constant 10 : i32
    %swap3A_146 = arith.constant 384 : index
    %swap3A_147 = arith.constant 0 : index
    %swap3A_148 = vector.load %arg3[%swap3A_146, %swap3A_147] : memref<1000x256xf32, #tpu.memory_space<vmem>>, vector<128x256xf32>
    tpu.vector_store %arg3[%swap3A_146, %swap3A_147], %scan3A_144 {strides = array<i32>} : memref<1000x256xf32, #tpu.memory_space<vmem>>, vector<128x256xf32>,
    %scan3A_149 = arith.constant 10 : i32
    %scan3A_150 = arith.constant 10 : i32
    %scan3A_151 = arith.addi %scan3A_149, %scan3A_150 : i32
    %scan3A_152 = arith.constant 1 : i32
    %scan3A_153 = scf.for %scan3A_344 = %scan3A_149 to %scan3A_151 step %scan3A_152 iter_args(%scan3A_345 = %scan3A_144) -> (vector<128x256xf32>)  : i32 {
      %get3A_346 = arith.index_cast %scan3A_344 : i32 to index
      %get3A_347 = arith.constant 0 : index
      %get3A_348 = vector.load %arg2[%get3A_346, %get3A_347] : memref<200x256xi32, #tpu.memory_space<vmem>>, vector<1x256xi32>
      %get3A_349 = arith.index_cast %scan3A_344 : i32 to index
      %get3A_350 = arith.constant 0 : index
      %get3A_351 = vector.load %arg7[%get3A_349, %get3A_350] : memref<200x256xf32, #tpu.memory_space<vmem>>, vector<1x256xf32>
      %eq3A = vector.broadcast %add3A_137 : vector<128x1xi32> to vector<128x256xi32>
      %eq3A_352 = vector.broadcast %get3A_348 : vector<1x256xi32> to vector<128x256xi32>
      %eq3A_353 = arith.cmpi eq, %eq3A, %eq3A_352 : vector<128x256xi32>
      %jit3A = arith.constant 0.000000e+00 : f32
      %broadcast_in_dim3A_354 = vector.shape_cast %get3A_351 : vector<1x256xf32> to vector<1x256xf32>
      %broadcast_in_dim3A_355 = vector.broadcast %broadcast_in_dim3A_354 : vector<1x256xf32> to vector<128x256xf32>
      %broadcast_in_dim3A_356 = vector.broadcast %jit3A : f32 to vector<128x256xf32>
      %select_n3A = arith.select %eq3A_353, %broadcast_in_dim3A_355, %broadcast_in_dim3A_356 : vector<128x256xi1>, vector<128x256xf32>
      %add3A_357 = arith.addf %scan3A_345, %select_n3A : vector<128x256xf32>
      scf.yield %add3A_357 : vector<128x256xf32>
    }
    %scan3A_154 = arith.constant 10 : i32
    %swap3A_155 = arith.constant 384 : index
    %swap3A_156 = arith.constant 0 : index
    %swap3A_157 = vector.load %arg4[%swap3A_155, %swap3A_156] : memref<1000x256xf32, #tpu.memory_space<vmem>>, vector<128x256xf32>
    tpu.vector_store %arg4[%swap3A_155, %swap3A_156], %scan3A_153 {strides = array<i32>} : memref<1000x256xf32, #tpu.memory_space<vmem>>, vector<128x256xf32>,
    %scan3A_158 = arith.constant 20 : i32
    %scan3A_159 = arith.constant 80 : i32
    %scan3A_160 = arith.addi %scan3A_158, %scan3A_159 : i32
    %scan3A_161 = arith.constant 1 : i32
    %scan3A_162 = scf.for %scan3A_344 = %scan3A_158 to %scan3A_160 step %scan3A_161 iter_args(%scan3A_345 = %scan3A_153) -> (vector<128x256xf32>)  : i32 {
      %get3A_346 = arith.index_cast %scan3A_344 : i32 to index
      %get3A_347 = arith.constant 0 : index
      %get3A_348 = vector.load %arg2[%get3A_346, %get3A_347] : memref<200x256xi32, #tpu.memory_space<vmem>>, vector<1x256xi32>
      %get3A_349 = arith.index_cast %scan3A_344 : i32 to index
      %get3A_350 = arith.constant 0 : index
      %get3A_351 = vector.load %arg7[%get3A_349, %get3A_350] : memref<200x256xf32, #tpu.memory_space<vmem>>, vector<1x256xf32>
      %eq3A = vector.broadcast %add3A_137 : vector<128x1xi32> to vector<128x256xi32>
      %eq3A_352 = vector.broadcast %get3A_348 : vector<1x256xi32> to vector<128x256xi32>
      %eq3A_353 = arith.cmpi eq, %eq3A, %eq3A_352 : vector<128x256xi32>
      %jit3A = arith.constant 0.000000e+00 : f32
      %broadcast_in_dim3A_354 = vector.shape_cast %get3A_351 : vector<1x256xf32> to vector<1x256xf32>
      %broadcast_in_dim3A_355 = vector.broadcast %broadcast_in_dim3A_354 : vector<1x256xf32> to vector<128x256xf32>
      %broadcast_in_dim3A_356 = vector.broadcast %jit3A : f32 to vector<128x256xf32>
      %select_n3A = arith.select %eq3A_353, %broadcast_in_dim3A_355, %broadcast_in_dim3A_356 : vector<128x256xi1>, vector<128x256xf32>
      %add3A_357 = arith.addf %scan3A_345, %select_n3A : vector<128x256xf32>
      scf.yield %add3A_357 : vector<128x256xf32>
    }
    %scan3A_163 = arith.constant 80 : i32
    %swap3A_164 = arith.constant 384 : index
    %swap3A_165 = arith.constant 0 : index
    %swap3A_166 = vector.load %arg5[%swap3A_164, %swap3A_165] : memref<1000x256xf32, #tpu.memory_space<vmem>>, vector<128x256xf32>
    tpu.vector_store %arg5[%swap3A_164, %swap3A_165], %scan3A_162 {strides = array<i32>} : memref<1000x256xf32, #tpu.memory_space<vmem>>, vector<128x256xf32>,
    %scan3A_167 = arith.constant 100 : i32
    %scan3A_168 = arith.constant 100 : i32
    %scan3A_169 = arith.addi %scan3A_167, %scan3A_168 : i32
    %scan3A_170 = arith.constant 1 : i32
    %scan3A_171 = scf.for %scan3A_344 = %scan3A_167 to %scan3A_169 step %scan3A_170 iter_args(%scan3A_345 = %scan3A_162) -> (vector<128x256xf32>)  : i32 {
      %get3A_346 = arith.index_cast %scan3A_344 : i32 to index
      %get3A_347 = arith.constant 0 : index
      %get3A_348 = vector.load %arg2[%get3A_346, %get3A_347] : memref<200x256xi32, #tpu.memory_space<vmem>>, vector<1x256xi32>
      %get3A_349 = arith.index_cast %scan3A_344 : i32 to index
      %get3A_350 = arith.constant 0 : index
      %get3A_351 = vector.load %arg7[%get3A_349, %get3A_350] : memref<200x256xf32, #tpu.memory_space<vmem>>, vector<1x256xf32>
      %eq3A = vector.broadcast %add3A_137 : vector<128x1xi32> to vector<128x256xi32>
      %eq3A_352 = vector.broadcast %get3A_348 : vector<1x256xi32> to vector<128x256xi32>
      %eq3A_353 = arith.cmpi eq, %eq3A, %eq3A_352 : vector<128x256xi32>
      %jit3A = arith.constant 0.000000e+00 : f32
      %broadcast_in_dim3A_354 = vector.shape_cast %get3A_351 : vector<1x256xf32> to vector<1x256xf32>
      %broadcast_in_dim3A_355 = vector.broadcast %broadcast_in_dim3A_354 : vector<1x256xf32> to vector<128x256xf32>
      %broadcast_in_dim3A_356 = vector.broadcast %jit3A : f32 to vector<128x256xf32>
      %select_n3A = arith.select %eq3A_353, %broadcast_in_dim3A_355, %broadcast_in_dim3A_356 : vector<128x256xi1>, vector<128x256xf32>
      %add3A_357 = arith.addf %scan3A_345, %select_n3A : vector<128x256xf32>
      scf.yield %add3A_357 : vector<128x256xf32>
    }
    %scan3A_172 = arith.constant 100 : i32
    %swap3A_173 = arith.constant 384 : index
    %swap3A_174 = arith.constant 0 : index
    %swap3A_175 = vector.load %arg6[%swap3A_173, %swap3A_174] : memref<1000x256xf32, #tpu.memory_space<vmem>>, vector<128x256xf32>
    tpu.vector_store %arg6[%swap3A_173, %swap3A_174], %scan3A_171 {strides = array<i32>} : memref<1000x256xf32, #tpu.memory_space<vmem>>, vector<128x256xf32>,
    %iota3A_176 = tpu.iota {dimensions = array<i32: 0>} : vector<128x1xi32>
    %add3A_177 = arith.constant 512 : i32
    %add3A_178 = vector.broadcast %add3A_177 : i32 to vector<128x1xi32>
    %add3A_179 = arith.addi %iota3A_176, %add3A_178 : vector<128x1xi32>
    %broadcast_in_dim3A_180 = arith.constant 0.000000e+00 : f32
    %broadcast_in_dim3A_181 = vector.broadcast %broadcast_in_dim3A_180 : f32 to vector<128x256xf32>
    %scan3A_182 = arith.constant 0 : i32
    %scan3A_183 = arith.constant 10 : i32
    %scan3A_184 = arith.addi %scan3A_182, %scan3A_183 : i32
    %scan3A_185 = arith.constant 1 : i32
    %scan3A_186 = scf.for %scan3A_344 = %scan3A_182 to %scan3A_184 step %scan3A_185 iter_args(%scan3A_345 = %broadcast_in_dim3A_181) -> (vector<128x256xf32>)  : i32 {
      %get3A_346 = arith.index_cast %scan3A_344 : i32 to index
      %get3A_347 = arith.constant 0 : index
      %get3A_348 = vector.load %arg2[%get3A_346, %get3A_347] : memref<200x256xi32, #tpu.memory_space<vmem>>, vector<1x256xi32>
      %get3A_349 = arith.index_cast %scan3A_344 : i32 to index
      %get3A_350 = arith.constant 0 : index
      %get3A_351 = vector.load %arg7[%get3A_349, %get3A_350] : memref<200x256xf32, #tpu.memory_space<vmem>>, vector<1x256xf32>
      %eq3A = vector.broadcast %add3A_179 : vector<128x1xi32> to vector<128x256xi32>
      %eq3A_352 = vector.broadcast %get3A_348 : vector<1x256xi32> to vector<128x256xi32>
      %eq3A_353 = arith.cmpi eq, %eq3A, %eq3A_352 : vector<128x256xi32>
      %jit3A = arith.constant 0.000000e+00 : f32
      %broadcast_in_dim3A_354 = vector.shape_cast %get3A_351 : vector<1x256xf32> to vector<1x256xf32>
      %broadcast_in_dim3A_355 = vector.broadcast %broadcast_in_dim3A_354 : vector<1x256xf32> to vector<128x256xf32>
      %broadcast_in_dim3A_356 = vector.broadcast %jit3A : f32 to vector<128x256xf32>
      %select_n3A = arith.select %eq3A_353, %broadcast_in_dim3A_355, %broadcast_in_dim3A_356 : vector<128x256xi1>, vector<128x256xf32>
      %add3A_357 = arith.addf %scan3A_345, %select_n3A : vector<128x256xf32>
      scf.yield %add3A_357 : vector<128x256xf32>
    }
    %scan3A_187 = arith.constant 10 : i32
    %swap3A_188 = arith.constant 512 : index
    %swap3A_189 = arith.constant 0 : index
    %swap3A_190 = vector.load %arg3[%swap3A_188, %swap3A_189] : memref<1000x256xf32, #tpu.memory_space<vmem>>, vector<128x256xf32>
    tpu.vector_store %arg3[%swap3A_188, %swap3A_189], %scan3A_186 {strides = array<i32>} : memref<1000x256xf32, #tpu.memory_space<vmem>>, vector<128x256xf32>,
    %scan3A_191 = arith.constant 10 : i32
    %scan3A_192 = arith.constant 10 : i32
    %scan3A_193 = arith.addi %scan3A_191, %scan3A_192 : i32
    %scan3A_194 = arith.constant 1 : i32
    %scan3A_195 = scf.for %scan3A_344 = %scan3A_191 to %scan3A_193 step %scan3A_194 iter_args(%scan3A_345 = %scan3A_186) -> (vector<128x256xf32>)  : i32 {
      %get3A_346 = arith.index_cast %scan3A_344 : i32 to index
      %get3A_347 = arith.constant 0 : index
      %get3A_348 = vector.load %arg2[%get3A_346, %get3A_347] : memref<200x256xi32, #tpu.memory_space<vmem>>, vector<1x256xi32>
      %get3A_349 = arith.index_cast %scan3A_344 : i32 to index
      %get3A_350 = arith.constant 0 : index
      %get3A_351 = vector.load %arg7[%get3A_349, %get3A_350] : memref<200x256xf32, #tpu.memory_space<vmem>>, vector<1x256xf32>
      %eq3A = vector.broadcast %add3A_179 : vector<128x1xi32> to vector<128x256xi32>
      %eq3A_352 = vector.broadcast %get3A_348 : vector<1x256xi32> to vector<128x256xi32>
      %eq3A_353 = arith.cmpi eq, %eq3A, %eq3A_352 : vector<128x256xi32>
      %jit3A = arith.constant 0.000000e+00 : f32
      %broadcast_in_dim3A_354 = vector.shape_cast %get3A_351 : vector<1x256xf32> to vector<1x256xf32>
      %broadcast_in_dim3A_355 = vector.broadcast %broadcast_in_dim3A_354 : vector<1x256xf32> to vector<128x256xf32>
      %broadcast_in_dim3A_356 = vector.broadcast %jit3A : f32 to vector<128x256xf32>
      %select_n3A = arith.select %eq3A_353, %broadcast_in_dim3A_355, %broadcast_in_dim3A_356 : vector<128x256xi1>, vector<128x256xf32>
      %add3A_357 = arith.addf %scan3A_345, %select_n3A : vector<128x256xf32>
      scf.yield %add3A_357 : vector<128x256xf32>
    }
    %scan3A_196 = arith.constant 10 : i32
    %swap3A_197 = arith.constant 512 : index
    %swap3A_198 = arith.constant 0 : index
    %swap3A_199 = vector.load %arg4[%swap3A_197, %swap3A_198] : memref<1000x256xf32, #tpu.memory_space<vmem>>, vector<128x256xf32>
    tpu.vector_store %arg4[%swap3A_197, %swap3A_198], %scan3A_195 {strides = array<i32>} : memref<1000x256xf32, #tpu.memory_space<vmem>>, vector<128x256xf32>,
    %scan3A_200 = arith.constant 20 : i32
    %scan3A_201 = arith.constant 80 : i32
    %scan3A_202 = arith.addi %scan3A_200, %scan3A_201 : i32
    %scan3A_203 = arith.constant 1 : i32
    %scan3A_204 = scf.for %scan3A_344 = %scan3A_200 to %scan3A_202 step %scan3A_203 iter_args(%scan3A_345 = %scan3A_195) -> (vector<128x256xf32>)  : i32 {
      %get3A_346 = arith.index_cast %scan3A_344 : i32 to index
      %get3A_347 = arith.constant 0 : index
      %get3A_348 = vector.load %arg2[%get3A_346, %get3A_347] : memref<200x256xi32, #tpu.memory_space<vmem>>, vector<1x256xi32>
      %get3A_349 = arith.index_cast %scan3A_344 : i32 to index
      %get3A_350 = arith.constant 0 : index
      %get3A_351 = vector.load %arg7[%get3A_349, %get3A_350] : memref<200x256xf32, #tpu.memory_space<vmem>>, vector<1x256xf32>
      %eq3A = vector.broadcast %add3A_179 : vector<128x1xi32> to vector<128x256xi32>
      %eq3A_352 = vector.broadcast %get3A_348 : vector<1x256xi32> to vector<128x256xi32>
      %eq3A_353 = arith.cmpi eq, %eq3A, %eq3A_352 : vector<128x256xi32>
      %jit3A = arith.constant 0.000000e+00 : f32
      %broadcast_in_dim3A_354 = vector.shape_cast %get3A_351 : vector<1x256xf32> to vector<1x256xf32>
      %broadcast_in_dim3A_355 = vector.broadcast %broadcast_in_dim3A_354 : vector<1x256xf32> to vector<128x256xf32>
      %broadcast_in_dim3A_356 = vector.broadcast %jit3A : f32 to vector<128x256xf32>
      %select_n3A = arith.select %eq3A_353, %broadcast_in_dim3A_355, %broadcast_in_dim3A_356 : vector<128x256xi1>, vector<128x256xf32>
      %add3A_357 = arith.addf %scan3A_345, %select_n3A : vector<128x256xf32>
      scf.yield %add3A_357 : vector<128x256xf32>
    }
    %scan3A_205 = arith.constant 80 : i32
    %swap3A_206 = arith.constant 512 : index
    %swap3A_207 = arith.constant 0 : index
    %swap3A_208 = vector.load %arg5[%swap3A_206, %swap3A_207] : memref<1000x256xf32, #tpu.memory_space<vmem>>, vector<128x256xf32>
    tpu.vector_store %arg5[%swap3A_206, %swap3A_207], %scan3A_204 {strides = array<i32>} : memref<1000x256xf32, #tpu.memory_space<vmem>>, vector<128x256xf32>,
    %scan3A_209 = arith.constant 100 : i32
    %scan3A_210 = arith.constant 100 : i32
    %scan3A_211 = arith.addi %scan3A_209, %scan3A_210 : i32
    %scan3A_212 = arith.constant 1 : i32
    %scan3A_213 = scf.for %scan3A_344 = %scan3A_209 to %scan3A_211 step %scan3A_212 iter_args(%scan3A_345 = %scan3A_204) -> (vector<128x256xf32>)  : i32 {
      %get3A_346 = arith.index_cast %scan3A_344 : i32 to index
      %get3A_347 = arith.constant 0 : index
      %get3A_348 = vector.load %arg2[%get3A_346, %get3A_347] : memref<200x256xi32, #tpu.memory_space<vmem>>, vector<1x256xi32>
      %get3A_349 = arith.index_cast %scan3A_344 : i32 to index
      %get3A_350 = arith.constant 0 : index
      %get3A_351 = vector.load %arg7[%get3A_349, %get3A_350] : memref<200x256xf32, #tpu.memory_space<vmem>>, vector<1x256xf32>
      %eq3A = vector.broadcast %add3A_179 : vector<128x1xi32> to vector<128x256xi32>
      %eq3A_352 = vector.broadcast %get3A_348 : vector<1x256xi32> to vector<128x256xi32>
      %eq3A_353 = arith.cmpi eq, %eq3A, %eq3A_352 : vector<128x256xi32>
      %jit3A = arith.constant 0.000000e+00 : f32
      %broadcast_in_dim3A_354 = vector.shape_cast %get3A_351 : vector<1x256xf32> to vector<1x256xf32>
      %broadcast_in_dim3A_355 = vector.broadcast %broadcast_in_dim3A_354 : vector<1x256xf32> to vector<128x256xf32>
      %broadcast_in_dim3A_356 = vector.broadcast %jit3A : f32 to vector<128x256xf32>
      %select_n3A = arith.select %eq3A_353, %broadcast_in_dim3A_355, %broadcast_in_dim3A_356 : vector<128x256xi1>, vector<128x256xf32>
      %add3A_357 = arith.addf %scan3A_345, %select_n3A : vector<128x256xf32>
      scf.yield %add3A_357 : vector<128x256xf32>
    }
    %scan3A_214 = arith.constant 100 : i32
    %swap3A_215 = arith.constant 512 : index
    %swap3A_216 = arith.constant 0 : index
    %swap3A_217 = vector.load %arg6[%swap3A_215, %swap3A_216] : memref<1000x256xf32, #tpu.memory_space<vmem>>, vector<128x256xf32>
    tpu.vector_store %arg6[%swap3A_215, %swap3A_216], %scan3A_213 {strides = array<i32>} : memref<1000x256xf32, #tpu.memory_space<vmem>>, vector<128x256xf32>,
    %iota3A_218 = tpu.iota {dimensions = array<i32: 0>} : vector<128x1xi32>
    %add3A_219 = arith.constant 640 : i32
    %add3A_220 = vector.broadcast %add3A_219 : i32 to vector<128x1xi32>
    %add3A_221 = arith.addi %iota3A_218, %add3A_220 : vector<128x1xi32>
    %broadcast_in_dim3A_222 = arith.constant 0.000000e+00 : f32
    %broadcast_in_dim3A_223 = vector.broadcast %broadcast_in_dim3A_222 : f32 to vector<128x256xf32>
    %scan3A_224 = arith.constant 0 : i32
    %scan3A_225 = arith.constant 10 : i32
    %scan3A_226 = arith.addi %scan3A_224, %scan3A_225 : i32
    %scan3A_227 = arith.constant 1 : i32
    %scan3A_228 = scf.for %scan3A_344 = %scan3A_224 to %scan3A_226 step %scan3A_227 iter_args(%scan3A_345 = %broadcast_in_dim3A_223) -> (vector<128x256xf32>)  : i32 {
      %get3A_346 = arith.index_cast %scan3A_344 : i32 to index
      %get3A_347 = arith.constant 0 : index
      %get3A_348 = vector.load %arg2[%get3A_346, %get3A_347] : memref<200x256xi32, #tpu.memory_space<vmem>>, vector<1x256xi32>
      %get3A_349 = arith.index_cast %scan3A_344 : i32 to index
      %get3A_350 = arith.constant 0 : index
      %get3A_351 = vector.load %arg7[%get3A_349, %get3A_350] : memref<200x256xf32, #tpu.memory_space<vmem>>, vector<1x256xf32>
      %eq3A = vector.broadcast %add3A_221 : vector<128x1xi32> to vector<128x256xi32>
      %eq3A_352 = vector.broadcast %get3A_348 : vector<1x256xi32> to vector<128x256xi32>
      %eq3A_353 = arith.cmpi eq, %eq3A, %eq3A_352 : vector<128x256xi32>
      %jit3A = arith.constant 0.000000e+00 : f32
      %broadcast_in_dim3A_354 = vector.shape_cast %get3A_351 : vector<1x256xf32> to vector<1x256xf32>
      %broadcast_in_dim3A_355 = vector.broadcast %broadcast_in_dim3A_354 : vector<1x256xf32> to vector<128x256xf32>
      %broadcast_in_dim3A_356 = vector.broadcast %jit3A : f32 to vector<128x256xf32>
      %select_n3A = arith.select %eq3A_353, %broadcast_in_dim3A_355, %broadcast_in_dim3A_356 : vector<128x256xi1>, vector<128x256xf32>
      %add3A_357 = arith.addf %scan3A_345, %select_n3A : vector<128x256xf32>
      scf.yield %add3A_357 : vector<128x256xf32>
    }
    %scan3A_229 = arith.constant 10 : i32
    %swap3A_230 = arith.constant 640 : index
    %swap3A_231 = arith.constant 0 : index
    %swap3A_232 = vector.load %arg3[%swap3A_230, %swap3A_231] : memref<1000x256xf32, #tpu.memory_space<vmem>>, vector<128x256xf32>
    tpu.vector_store %arg3[%swap3A_230, %swap3A_231], %scan3A_228 {strides = array<i32>} : memref<1000x256xf32, #tpu.memory_space<vmem>>, vector<128x256xf32>,
    %scan3A_233 = arith.constant 10 : i32
    %scan3A_234 = arith.constant 10 : i32
    %scan3A_235 = arith.addi %scan3A_233, %scan3A_234 : i32
    %scan3A_236 = arith.constant 1 : i32
    %scan3A_237 = scf.for %scan3A_344 = %scan3A_233 to %scan3A_235 step %scan3A_236 iter_args(%scan3A_345 = %scan3A_228) -> (vector<128x256xf32>)  : i32 {
      %get3A_346 = arith.index_cast %scan3A_344 : i32 to index
      %get3A_347 = arith.constant 0 : index
      %get3A_348 = vector.load %arg2[%get3A_346, %get3A_347] : memref<200x256xi32, #tpu.memory_space<vmem>>, vector<1x256xi32>
      %get3A_349 = arith.index_cast %scan3A_344 : i32 to index
      %get3A_350 = arith.constant 0 : index
      %get3A_351 = vector.load %arg7[%get3A_349, %get3A_350] : memref<200x256xf32, #tpu.memory_space<vmem>>, vector<1x256xf32>
      %eq3A = vector.broadcast %add3A_221 : vector<128x1xi32> to vector<128x256xi32>
      %eq3A_352 = vector.broadcast %get3A_348 : vector<1x256xi32> to vector<128x256xi32>
      %eq3A_353 = arith.cmpi eq, %eq3A, %eq3A_352 : vector<128x256xi32>
      %jit3A = arith.constant 0.000000e+00 : f32
      %broadcast_in_dim3A_354 = vector.shape_cast %get3A_351 : vector<1x256xf32> to vector<1x256xf32>
      %broadcast_in_dim3A_355 = vector.broadcast %broadcast_in_dim3A_354 : vector<1x256xf32> to vector<128x256xf32>
      %broadcast_in_dim3A_356 = vector.broadcast %jit3A : f32 to vector<128x256xf32>
      %select_n3A = arith.select %eq3A_353, %broadcast_in_dim3A_355, %broadcast_in_dim3A_356 : vector<128x256xi1>, vector<128x256xf32>
      %add3A_357 = arith.addf %scan3A_345, %select_n3A : vector<128x256xf32>
      scf.yield %add3A_357 : vector<128x256xf32>
    }
    %scan3A_238 = arith.constant 10 : i32
    %swap3A_239 = arith.constant 640 : index
    %swap3A_240 = arith.constant 0 : index
    %swap3A_241 = vector.load %arg4[%swap3A_239, %swap3A_240] : memref<1000x256xf32, #tpu.memory_space<vmem>>, vector<128x256xf32>
    tpu.vector_store %arg4[%swap3A_239, %swap3A_240], %scan3A_237 {strides = array<i32>} : memref<1000x256xf32, #tpu.memory_space<vmem>>, vector<128x256xf32>,
    %scan3A_242 = arith.constant 20 : i32
    %scan3A_243 = arith.constant 80 : i32
    %scan3A_244 = arith.addi %scan3A_242, %scan3A_243 : i32
    %scan3A_245 = arith.constant 1 : i32
    %scan3A_246 = scf.for %scan3A_344 = %scan3A_242 to %scan3A_244 step %scan3A_245 iter_args(%scan3A_345 = %scan3A_237) -> (vector<128x256xf32>)  : i32 {
      %get3A_346 = arith.index_cast %scan3A_344 : i32 to index
      %get3A_347 = arith.constant 0 : index
      %get3A_348 = vector.load %arg2[%get3A_346, %get3A_347] : memref<200x256xi32, #tpu.memory_space<vmem>>, vector<1x256xi32>
      %get3A_349 = arith.index_cast %scan3A_344 : i32 to index
      %get3A_350 = arith.constant 0 : index
      %get3A_351 = vector.load %arg7[%get3A_349, %get3A_350] : memref<200x256xf32, #tpu.memory_space<vmem>>, vector<1x256xf32>
      %eq3A = vector.broadcast %add3A_221 : vector<128x1xi32> to vector<128x256xi32>
      %eq3A_352 = vector.broadcast %get3A_348 : vector<1x256xi32> to vector<128x256xi32>
      %eq3A_353 = arith.cmpi eq, %eq3A, %eq3A_352 : vector<128x256xi32>
      %jit3A = arith.constant 0.000000e+00 : f32
      %broadcast_in_dim3A_354 = vector.shape_cast %get3A_351 : vector<1x256xf32> to vector<1x256xf32>
      %broadcast_in_dim3A_355 = vector.broadcast %broadcast_in_dim3A_354 : vector<1x256xf32> to vector<128x256xf32>
      %broadcast_in_dim3A_356 = vector.broadcast %jit3A : f32 to vector<128x256xf32>
      %select_n3A = arith.select %eq3A_353, %broadcast_in_dim3A_355, %broadcast_in_dim3A_356 : vector<128x256xi1>, vector<128x256xf32>
      %add3A_357 = arith.addf %scan3A_345, %select_n3A : vector<128x256xf32>
      scf.yield %add3A_357 : vector<128x256xf32>
    }
    %scan3A_247 = arith.constant 80 : i32
    %swap3A_248 = arith.constant 640 : index
    %swap3A_249 = arith.constant 0 : index
    %swap3A_250 = vector.load %arg5[%swap3A_248, %swap3A_249] : memref<1000x256xf32, #tpu.memory_space<vmem>>, vector<128x256xf32>
    tpu.vector_store %arg5[%swap3A_248, %swap3A_249], %scan3A_246 {strides = array<i32>} : memref<1000x256xf32, #tpu.memory_space<vmem>>, vector<128x256xf32>,
    %scan3A_251 = arith.constant 100 : i32
    %scan3A_252 = arith.constant 100 : i32
    %scan3A_253 = arith.addi %scan3A_251, %scan3A_252 : i32
    %scan3A_254 = arith.constant 1 : i32
    %scan3A_255 = scf.for %scan3A_344 = %scan3A_251 to %scan3A_253 step %scan3A_254 iter_args(%scan3A_345 = %scan3A_246) -> (vector<128x256xf32>)  : i32 {
      %get3A_346 = arith.index_cast %scan3A_344 : i32 to index
      %get3A_347 = arith.constant 0 : index
      %get3A_348 = vector.load %arg2[%get3A_346, %get3A_347] : memref<200x256xi32, #tpu.memory_space<vmem>>, vector<1x256xi32>
      %get3A_349 = arith.index_cast %scan3A_344 : i32 to index
      %get3A_350 = arith.constant 0 : index
      %get3A_351 = vector.load %arg7[%get3A_349, %get3A_350] : memref<200x256xf32, #tpu.memory_space<vmem>>, vector<1x256xf32>
      %eq3A = vector.broadcast %add3A_221 : vector<128x1xi32> to vector<128x256xi32>
      %eq3A_352 = vector.broadcast %get3A_348 : vector<1x256xi32> to vector<128x256xi32>
      %eq3A_353 = arith.cmpi eq, %eq3A, %eq3A_352 : vector<128x256xi32>
      %jit3A = arith.constant 0.000000e+00 : f32
      %broadcast_in_dim3A_354 = vector.shape_cast %get3A_351 : vector<1x256xf32> to vector<1x256xf32>
      %broadcast_in_dim3A_355 = vector.broadcast %broadcast_in_dim3A_354 : vector<1x256xf32> to vector<128x256xf32>
      %broadcast_in_dim3A_356 = vector.broadcast %jit3A : f32 to vector<128x256xf32>
      %select_n3A = arith.select %eq3A_353, %broadcast_in_dim3A_355, %broadcast_in_dim3A_356 : vector<128x256xi1>, vector<128x256xf32>
      %add3A_357 = arith.addf %scan3A_345, %select_n3A : vector<128x256xf32>
      scf.yield %add3A_357 : vector<128x256xf32>
    }
    %scan3A_256 = arith.constant 100 : i32
    %swap3A_257 = arith.constant 640 : index
    %swap3A_258 = arith.constant 0 : index
    %swap3A_259 = vector.load %arg6[%swap3A_257, %swap3A_258] : memref<1000x256xf32, #tpu.memory_space<vmem>>, vector<128x256xf32>
    tpu.vector_store %arg6[%swap3A_257, %swap3A_258], %scan3A_255 {strides = array<i32>} : memref<1000x256xf32, #tpu.memory_space<vmem>>, vector<128x256xf32>,
    %iota3A_260 = tpu.iota {dimensions = array<i32: 0>} : vector<128x1xi32>
    %add3A_261 = arith.constant 768 : i32
    %add3A_262 = vector.broadcast %add3A_261 : i32 to vector<128x1xi32>
    %add3A_263 = arith.addi %iota3A_260, %add3A_262 : vector<128x1xi32>
    %broadcast_in_dim3A_264 = arith.constant 0.000000e+00 : f32
    %broadcast_in_dim3A_265 = vector.broadcast %broadcast_in_dim3A_264 : f32 to vector<128x256xf32>
    %scan3A_266 = arith.constant 0 : i32
    %scan3A_267 = arith.constant 10 : i32
    %scan3A_268 = arith.addi %scan3A_266, %scan3A_267 : i32
    %scan3A_269 = arith.constant 1 : i32
    %scan3A_270 = scf.for %scan3A_344 = %scan3A_266 to %scan3A_268 step %scan3A_269 iter_args(%scan3A_345 = %broadcast_in_dim3A_265) -> (vector<128x256xf32>)  : i32 {
      %get3A_346 = arith.index_cast %scan3A_344 : i32 to index
      %get3A_347 = arith.constant 0 : index
      %get3A_348 = vector.load %arg2[%get3A_346, %get3A_347] : memref<200x256xi32, #tpu.memory_space<vmem>>, vector<1x256xi32>
      %get3A_349 = arith.index_cast %scan3A_344 : i32 to index
      %get3A_350 = arith.constant 0 : index
      %get3A_351 = vector.load %arg7[%get3A_349, %get3A_350] : memref<200x256xf32, #tpu.memory_space<vmem>>, vector<1x256xf32>
      %eq3A = vector.broadcast %add3A_263 : vector<128x1xi32> to vector<128x256xi32>
      %eq3A_352 = vector.broadcast %get3A_348 : vector<1x256xi32> to vector<128x256xi32>
      %eq3A_353 = arith.cmpi eq, %eq3A, %eq3A_352 : vector<128x256xi32>
      %jit3A = arith.constant 0.000000e+00 : f32
      %broadcast_in_dim3A_354 = vector.shape_cast %get3A_351 : vector<1x256xf32> to vector<1x256xf32>
      %broadcast_in_dim3A_355 = vector.broadcast %broadcast_in_dim3A_354 : vector<1x256xf32> to vector<128x256xf32>
      %broadcast_in_dim3A_356 = vector.broadcast %jit3A : f32 to vector<128x256xf32>
      %select_n3A = arith.select %eq3A_353, %broadcast_in_dim3A_355, %broadcast_in_dim3A_356 : vector<128x256xi1>, vector<128x256xf32>
      %add3A_357 = arith.addf %scan3A_345, %select_n3A : vector<128x256xf32>
      scf.yield %add3A_357 : vector<128x256xf32>
    }
    %scan3A_271 = arith.constant 10 : i32
    %swap3A_272 = arith.constant 768 : index
    %swap3A_273 = arith.constant 0 : index
    %swap3A_274 = vector.load %arg3[%swap3A_272, %swap3A_273] : memref<1000x256xf32, #tpu.memory_space<vmem>>, vector<128x256xf32>
    tpu.vector_store %arg3[%swap3A_272, %swap3A_273], %scan3A_270 {strides = array<i32>} : memref<1000x256xf32, #tpu.memory_space<vmem>>, vector<128x256xf32>,
    %scan3A_275 = arith.constant 10 : i32
    %scan3A_276 = arith.constant 10 : i32
    %scan3A_277 = arith.addi %scan3A_275, %scan3A_276 : i32
    %scan3A_278 = arith.constant 1 : i32
    %scan3A_279 = scf.for %scan3A_344 = %scan3A_275 to %scan3A_277 step %scan3A_278 iter_args(%scan3A_345 = %scan3A_270) -> (vector<128x256xf32>)  : i32 {
      %get3A_346 = arith.index_cast %scan3A_344 : i32 to index
      %get3A_347 = arith.constant 0 : index
      %get3A_348 = vector.load %arg2[%get3A_346, %get3A_347] : memref<200x256xi32, #tpu.memory_space<vmem>>, vector<1x256xi32>
      %get3A_349 = arith.index_cast %scan3A_344 : i32 to index
      %get3A_350 = arith.constant 0 : index
      %get3A_351 = vector.load %arg7[%get3A_349, %get3A_350] : memref<200x256xf32, #tpu.memory_space<vmem>>, vector<1x256xf32>
      %eq3A = vector.broadcast %add3A_263 : vector<128x1xi32> to vector<128x256xi32>
      %eq3A_352 = vector.broadcast %get3A_348 : vector<1x256xi32> to vector<128x256xi32>
      %eq3A_353 = arith.cmpi eq, %eq3A, %eq3A_352 : vector<128x256xi32>
      %jit3A = arith.constant 0.000000e+00 : f32
      %broadcast_in_dim3A_354 = vector.shape_cast %get3A_351 : vector<1x256xf32> to vector<1x256xf32>
      %broadcast_in_dim3A_355 = vector.broadcast %broadcast_in_dim3A_354 : vector<1x256xf32> to vector<128x256xf32>
      %broadcast_in_dim3A_356 = vector.broadcast %jit3A : f32 to vector<128x256xf32>
      %select_n3A = arith.select %eq3A_353, %broadcast_in_dim3A_355, %broadcast_in_dim3A_356 : vector<128x256xi1>, vector<128x256xf32>
      %add3A_357 = arith.addf %scan3A_345, %select_n3A : vector<128x256xf32>
      scf.yield %add3A_357 : vector<128x256xf32>
    }
    %scan3A_280 = arith.constant 10 : i32
    %swap3A_281 = arith.constant 768 : index
    %swap3A_282 = arith.constant 0 : index
    %swap3A_283 = vector.load %arg4[%swap3A_281, %swap3A_282] : memref<1000x256xf32, #tpu.memory_space<vmem>>, vector<128x256xf32>
    tpu.vector_store %arg4[%swap3A_281, %swap3A_282], %scan3A_279 {strides = array<i32>} : memref<1000x256xf32, #tpu.memory_space<vmem>>, vector<128x256xf32>,
    %scan3A_284 = arith.constant 20 : i32
    %scan3A_285 = arith.constant 80 : i32
    %scan3A_286 = arith.addi %scan3A_284, %scan3A_285 : i32
    %scan3A_287 = arith.constant 1 : i32
    %scan3A_288 = scf.for %scan3A_344 = %scan3A_284 to %scan3A_286 step %scan3A_287 iter_args(%scan3A_345 = %scan3A_279) -> (vector<128x256xf32>)  : i32 {
      %get3A_346 = arith.index_cast %scan3A_344 : i32 to index
      %get3A_347 = arith.constant 0 : index
      %get3A_348 = vector.load %arg2[%get3A_346, %get3A_347] : memref<200x256xi32, #tpu.memory_space<vmem>>, vector<1x256xi32>
      %get3A_349 = arith.index_cast %scan3A_344 : i32 to index
      %get3A_350 = arith.constant 0 : index
      %get3A_351 = vector.load %arg7[%get3A_349, %get3A_350] : memref<200x256xf32, #tpu.memory_space<vmem>>, vector<1x256xf32>
      %eq3A = vector.broadcast %add3A_263 : vector<128x1xi32> to vector<128x256xi32>
      %eq3A_352 = vector.broadcast %get3A_348 : vector<1x256xi32> to vector<128x256xi32>
      %eq3A_353 = arith.cmpi eq, %eq3A, %eq3A_352 : vector<128x256xi32>
      %jit3A = arith.constant 0.000000e+00 : f32
      %broadcast_in_dim3A_354 = vector.shape_cast %get3A_351 : vector<1x256xf32> to vector<1x256xf32>
      %broadcast_in_dim3A_355 = vector.broadcast %broadcast_in_dim3A_354 : vector<1x256xf32> to vector<128x256xf32>
      %broadcast_in_dim3A_356 = vector.broadcast %jit3A : f32 to vector<128x256xf32>
      %select_n3A = arith.select %eq3A_353, %broadcast_in_dim3A_355, %broadcast_in_dim3A_356 : vector<128x256xi1>, vector<128x256xf32>
      %add3A_357 = arith.addf %scan3A_345, %select_n3A : vector<128x256xf32>
      scf.yield %add3A_357 : vector<128x256xf32>
    }
    %scan3A_289 = arith.constant 80 : i32
    %swap3A_290 = arith.constant 768 : index
    %swap3A_291 = arith.constant 0 : index
    %swap3A_292 = vector.load %arg5[%swap3A_290, %swap3A_291] : memref<1000x256xf32, #tpu.memory_space<vmem>>, vector<128x256xf32>
    tpu.vector_store %arg5[%swap3A_290, %swap3A_291], %scan3A_288 {strides = array<i32>} : memref<1000x256xf32, #tpu.memory_space<vmem>>, vector<128x256xf32>,
    %scan3A_293 = arith.constant 100 : i32
    %scan3A_294 = arith.constant 100 : i32
    %scan3A_295 = arith.addi %scan3A_293, %scan3A_294 : i32
    %scan3A_296 = arith.constant 1 : i32
    %scan3A_297 = scf.for %scan3A_344 = %scan3A_293 to %scan3A_295 step %scan3A_296 iter_args(%scan3A_345 = %scan3A_288) -> (vector<128x256xf32>)  : i32 {
      %get3A_346 = arith.index_cast %scan3A_344 : i32 to index
      %get3A_347 = arith.constant 0 : index
      %get3A_348 = vector.load %arg2[%get3A_346, %get3A_347] : memref<200x256xi32, #tpu.memory_space<vmem>>, vector<1x256xi32>
      %get3A_349 = arith.index_cast %scan3A_344 : i32 to index
      %get3A_350 = arith.constant 0 : index
      %get3A_351 = vector.load %arg7[%get3A_349, %get3A_350] : memref<200x256xf32, #tpu.memory_space<vmem>>, vector<1x256xf32>
      %eq3A = vector.broadcast %add3A_263 : vector<128x1xi32> to vector<128x256xi32>
      %eq3A_352 = vector.broadcast %get3A_348 : vector<1x256xi32> to vector<128x256xi32>
      %eq3A_353 = arith.cmpi eq, %eq3A, %eq3A_352 : vector<128x256xi32>
      %jit3A = arith.constant 0.000000e+00 : f32
      %broadcast_in_dim3A_354 = vector.shape_cast %get3A_351 : vector<1x256xf32> to vector<1x256xf32>
      %broadcast_in_dim3A_355 = vector.broadcast %broadcast_in_dim3A_354 : vector<1x256xf32> to vector<128x256xf32>
      %broadcast_in_dim3A_356 = vector.broadcast %jit3A : f32 to vector<128x256xf32>
      %select_n3A = arith.select %eq3A_353, %broadcast_in_dim3A_355, %broadcast_in_dim3A_356 : vector<128x256xi1>, vector<128x256xf32>
      %add3A_357 = arith.addf %scan3A_345, %select_n3A : vector<128x256xf32>
      scf.yield %add3A_357 : vector<128x256xf32>
    }
    %scan3A_298 = arith.constant 100 : i32
    %swap3A_299 = arith.constant 768 : index
    %swap3A_300 = arith.constant 0 : index
    %swap3A_301 = vector.load %arg6[%swap3A_299, %swap3A_300] : memref<1000x256xf32, #tpu.memory_space<vmem>>, vector<128x256xf32>
    tpu.vector_store %arg6[%swap3A_299, %swap3A_300], %scan3A_297 {strides = array<i32>} : memref<1000x256xf32, #tpu.memory_space<vmem>>, vector<128x256xf32>,
    %iota3A_302 = tpu.iota {dimensions = array<i32: 0>} : vector<104x1xi32>
    %add3A_303 = arith.constant 896 : i32
    %add3A_304 = vector.broadcast %add3A_303 : i32 to vector<104x1xi32>
    %add3A_305 = arith.addi %iota3A_302, %add3A_304 : vector<104x1xi32>
    %broadcast_in_dim3A_306 = arith.constant 0.000000e+00 : f32
    %broadcast_in_dim3A_307 = vector.broadcast %broadcast_in_dim3A_306 : f32 to vector<104x256xf32>
    %scan3A_308 = arith.constant 0 : i32
    %scan3A_309 = arith.constant 10 : i32
    %scan3A_310 = arith.addi %scan3A_308, %scan3A_309 : i32
    %scan3A_311 = arith.constant 1 : i32
    %scan3A_312 = scf.for %scan3A_344 = %scan3A_308 to %scan3A_310 step %scan3A_311 iter_args(%scan3A_345 = %broadcast_in_dim3A_307) -> (vector<104x256xf32>)  : i32 {
      %get3A_346 = arith.index_cast %scan3A_344 : i32 to index
      %get3A_347 = arith.constant 0 : index
      %get3A_348 = vector.load %arg2[%get3A_346, %get3A_347] : memref<200x256xi32, #tpu.memory_space<vmem>>, vector<1x256xi32>
      %get3A_349 = arith.index_cast %scan3A_344 : i32 to index
      %get3A_350 = arith.constant 0 : index
      %get3A_351 = vector.load %arg7[%get3A_349, %get3A_350] : memref<200x256xf32, #tpu.memory_space<vmem>>, vector<1x256xf32>
      %eq3A = vector.broadcast %add3A_305 : vector<104x1xi32> to vector<104x256xi32>
      %eq3A_352 = vector.broadcast %get3A_348 : vector<1x256xi32> to vector<104x256xi32>
      %eq3A_353 = arith.cmpi eq, %eq3A, %eq3A_352 : vector<104x256xi32>
      %jit3A = arith.constant 0.000000e+00 : f32
      %broadcast_in_dim3A_354 = vector.shape_cast %get3A_351 : vector<1x256xf32> to vector<1x256xf32>
      %broadcast_in_dim3A_355 = vector.broadcast %broadcast_in_dim3A_354 : vector<1x256xf32> to vector<104x256xf32>
      %broadcast_in_dim3A_356 = vector.broadcast %jit3A : f32 to vector<104x256xf32>
      %select_n3A = arith.select %eq3A_353, %broadcast_in_dim3A_355, %broadcast_in_dim3A_356 : vector<104x256xi1>, vector<104x256xf32>
      %add3A_357 = arith.addf %scan3A_345, %select_n3A : vector<104x256xf32>
      scf.yield %add3A_357 : vector<104x256xf32>
    }
    %scan3A_313 = arith.constant 10 : i32
    %swap3A_314 = arith.constant 896 : index
    %swap3A_315 = arith.constant 0 : index
    %swap3A_316 = vector.load %arg3[%swap3A_314, %swap3A_315] : memref<1000x256xf32, #tpu.memory_space<vmem>>, vector<104x256xf32>
    tpu.vector_store %arg3[%swap3A_314, %swap3A_315], %scan3A_312 {strides = array<i32>} : memref<1000x256xf32, #tpu.memory_space<vmem>>, vector<104x256xf32>,
    %scan3A_317 = arith.constant 10 : i32
    %scan3A_318 = arith.constant 10 : i32
    %scan3A_319 = arith.addi %scan3A_317, %scan3A_318 : i32
    %scan3A_320 = arith.constant 1 : i32
    %scan3A_321 = scf.for %scan3A_344 = %scan3A_317 to %scan3A_319 step %scan3A_320 iter_args(%scan3A_345 = %scan3A_312) -> (vector<104x256xf32>)  : i32 {
      %get3A_346 = arith.index_cast %scan3A_344 : i32 to index
      %get3A_347 = arith.constant 0 : index
      %get3A_348 = vector.load %arg2[%get3A_346, %get3A_347] : memref<200x256xi32, #tpu.memory_space<vmem>>, vector<1x256xi32>
      %get3A_349 = arith.index_cast %scan3A_344 : i32 to index
      %get3A_350 = arith.constant 0 : index
      %get3A_351 = vector.load %arg7[%get3A_349, %get3A_350] : memref<200x256xf32, #tpu.memory_space<vmem>>, vector<1x256xf32>
      %eq3A = vector.broadcast %add3A_305 : vector<104x1xi32> to vector<104x256xi32>
      %eq3A_352 = vector.broadcast %get3A_348 : vector<1x256xi32> to vector<104x256xi32>
      %eq3A_353 = arith.cmpi eq, %eq3A, %eq3A_352 : vector<104x256xi32>
      %jit3A = arith.constant 0.000000e+00 : f32
      %broadcast_in_dim3A_354 = vector.shape_cast %get3A_351 : vector<1x256xf32> to vector<1x256xf32>
      %broadcast_in_dim3A_355 = vector.broadcast %broadcast_in_dim3A_354 : vector<1x256xf32> to vector<104x256xf32>
      %broadcast_in_dim3A_356 = vector.broadcast %jit3A : f32 to vector<104x256xf32>
      %select_n3A = arith.select %eq3A_353, %broadcast_in_dim3A_355, %broadcast_in_dim3A_356 : vector<104x256xi1>, vector<104x256xf32>
      %add3A_357 = arith.addf %scan3A_345, %select_n3A : vector<104x256xf32>
      scf.yield %add3A_357 : vector<104x256xf32>
    }
    %scan3A_322 = arith.constant 10 : i32
    %swap3A_323 = arith.constant 896 : index
    %swap3A_324 = arith.constant 0 : index
    %swap3A_325 = vector.load %arg4[%swap3A_323, %swap3A_324] : memref<1000x256xf32, #tpu.memory_space<vmem>>, vector<104x256xf32>
    tpu.vector_store %arg4[%swap3A_323, %swap3A_324], %scan3A_321 {strides = array<i32>} : memref<1000x256xf32, #tpu.memory_space<vmem>>, vector<104x256xf32>,
    %scan3A_326 = arith.constant 20 : i32
    %scan3A_327 = arith.constant 80 : i32
    %scan3A_328 = arith.addi %scan3A_326, %scan3A_327 : i32
    %scan3A_329 = arith.constant 1 : i32
    %scan3A_330 = scf.for %scan3A_344 = %scan3A_326 to %scan3A_328 step %scan3A_329 iter_args(%scan3A_345 = %scan3A_321) -> (vector<104x256xf32>)  : i32 {
      %get3A_346 = arith.index_cast %scan3A_344 : i32 to index
      %get3A_347 = arith.constant 0 : index
      %get3A_348 = vector.load %arg2[%get3A_346, %get3A_347] : memref<200x256xi32, #tpu.memory_space<vmem>>, vector<1x256xi32>
      %get3A_349 = arith.index_cast %scan3A_344 : i32 to index
      %get3A_350 = arith.constant 0 : index
      %get3A_351 = vector.load %arg7[%get3A_349, %get3A_350] : memref<200x256xf32, #tpu.memory_space<vmem>>, vector<1x256xf32>
      %eq3A = vector.broadcast %add3A_305 : vector<104x1xi32> to vector<104x256xi32>
      %eq3A_352 = vector.broadcast %get3A_348 : vector<1x256xi32> to vector<104x256xi32>
      %eq3A_353 = arith.cmpi eq, %eq3A, %eq3A_352 : vector<104x256xi32>
      %jit3A = arith.constant 0.000000e+00 : f32
      %broadcast_in_dim3A_354 = vector.shape_cast %get3A_351 : vector<1x256xf32> to vector<1x256xf32>
      %broadcast_in_dim3A_355 = vector.broadcast %broadcast_in_dim3A_354 : vector<1x256xf32> to vector<104x256xf32>
      %broadcast_in_dim3A_356 = vector.broadcast %jit3A : f32 to vector<104x256xf32>
      %select_n3A = arith.select %eq3A_353, %broadcast_in_dim3A_355, %broadcast_in_dim3A_356 : vector<104x256xi1>, vector<104x256xf32>
      %add3A_357 = arith.addf %scan3A_345, %select_n3A : vector<104x256xf32>
      scf.yield %add3A_357 : vector<104x256xf32>
    }
    %scan3A_331 = arith.constant 80 : i32
    %swap3A_332 = arith.constant 896 : index
    %swap3A_333 = arith.constant 0 : index
    %swap3A_334 = vector.load %arg5[%swap3A_332, %swap3A_333] : memref<1000x256xf32, #tpu.memory_space<vmem>>, vector<104x256xf32>
    tpu.vector_store %arg5[%swap3A_332, %swap3A_333], %scan3A_330 {strides = array<i32>} : memref<1000x256xf32, #tpu.memory_space<vmem>>, vector<104x256xf32>,
    %scan3A_335 = arith.constant 100 : i32
    %scan3A_336 = arith.constant 100 : i32
    %scan3A_337 = arith.addi %scan3A_335, %scan3A_336 : i32
    %scan3A_338 = arith.constant 1 : i32
    %scan3A_339 = scf.for %scan3A_344 = %scan3A_335 to %scan3A_337 step %scan3A_338 iter_args(%scan3A_345 = %scan3A_330) -> (vector<104x256xf32>)  : i32 {
      %get3A_346 = arith.index_cast %scan3A_344 : i32 to index
      %get3A_347 = arith.constant 0 : index
      %get3A_348 = vector.load %arg2[%get3A_346, %get3A_347] : memref<200x256xi32, #tpu.memory_space<vmem>>, vector<1x256xi32>
      %get3A_349 = arith.index_cast %scan3A_344 : i32 to index
      %get3A_350 = arith.constant 0 : index
      %get3A_351 = vector.load %arg7[%get3A_349, %get3A_350] : memref<200x256xf32, #tpu.memory_space<vmem>>, vector<1x256xf32>
      %eq3A = vector.broadcast %add3A_305 : vector<104x1xi32> to vector<104x256xi32>
      %eq3A_352 = vector.broadcast %get3A_348 : vector<1x256xi32> to vector<104x256xi32>
      %eq3A_353 = arith.cmpi eq, %eq3A, %eq3A_352 : vector<104x256xi32>
      %jit3A = arith.constant 0.000000e+00 : f32
      %broadcast_in_dim3A_354 = vector.shape_cast %get3A_351 : vector<1x256xf32> to vector<1x256xf32>
      %broadcast_in_dim3A_355 = vector.broadcast %broadcast_in_dim3A_354 : vector<1x256xf32> to vector<104x256xf32>
      %broadcast_in_dim3A_356 = vector.broadcast %jit3A : f32 to vector<104x256xf32>
      %select_n3A = arith.select %eq3A_353, %broadcast_in_dim3A_355, %broadcast_in_dim3A_356 : vector<104x256xi1>, vector<104x256xf32>
      %add3A_357 = arith.addf %scan3A_345, %select_n3A : vector<104x256xf32>
      scf.yield %add3A_357 : vector<104x256xf32>
    }
    %scan3A_340 = arith.constant 100 : i32
    %swap3A_341 = arith.constant 896 : index
    %swap3A_342 = arith.constant 0 : index
    %swap3A_343 = vector.load %arg6[%swap3A_341, %swap3A_342] : memref<1000x256xf32, #tpu.memory_space<vmem>>, vector<104x256xf32>
    tpu.vector_store %arg6[%swap3A_341, %swap3A_342], %scan3A_339 {strides = array<i32>} : memref<1000x256xf32, #tpu.memory_space<vmem>>, vector<104x256xf32>,
    return
  }
  func.func @transform_0(%arg0: i32) -> (i32, i32) {
    %c0_i32 = arith.constant 0 : i32
    %c0_i32_0 = arith.constant 0 : i32
    return %c0_i32, %arg0 : i32, i32
  }
  func.func @transform_1(%arg0: i32) -> (i32, i32) {
    %c0_i32 = arith.constant 0 : i32
    %c0_i32_0 = arith.constant 0 : i32
    return %c0_i32, %arg0 : i32, i32
  }
  func.func @transform_2(%arg0: i32) -> (i32, i32) {
    %c0_i32 = arith.constant 0 : i32
    %c0_i32_0 = arith.constant 0 : i32
    return %c0_i32, %arg0 : i32, i32
  }
  func.func @transform_3(%arg0: i32) -> (i32, i32) {
    %c0_i32 = arith.constant 0 : i32
    %c0_i32_0 = arith.constant 0 : i32
    return %c0_i32, %arg0 : i32, i32
  }
  func.func @transform_4(%arg0: i32) -> (i32, i32) {
    %c0_i32 = arith.constant 0 : i32
    %c0_i32_0 = arith.constant 0 : i32
    return %c0_i32, %arg0 : i32, i32
  }
  func.func @transform_5(%arg0: i32) -> (i32, i32) {
    %c0_i32 = arith.constant 0 : i32
    %c0_i32_0 = arith.constant 0 : i32
    return %c0_i32, %arg0 : i32, i32
  }
}

</mosaic_0001>

<sc_bundles>
// kernel: gather_offload_async_start.1
scs
__scs_entry_jumppad:
0x0: {  	(pc) =	sbr.rel $0x88, $3  }
0x1: {  	(tag) =	ssettag $0x0;
	lr =	simm.s32 $0x1  }
0x2: {  	[smem:$0x3F9E] =	sst lr;
	_ =	strace $0xD0000000  }
0x3: {  	_ = 	snop  }
0x4: {  	_ = 	snop  }
0x5: {  	_ = 	snop  }
0x6: {  	_ = 	snop  }
0x7: {  	_ = 	snop  }
__scs_overlays_trampoline_lowered:
0x8: {  	[smem:$0x3FAD] =	sst s0  }
0x9: {  	[smem:$0x3FAE] =	sst s1  }
0xa: {  	[smem:$0x3FAF] =	sst s2  }
0xb: {  	[smem:$0x3FB0] =	sst s3  }
0xc: {  	[smem:$0x3FB1] =	sst s4  }
0xd: {  	[smem:$0x3FB2] =	sst s5  }
0xe: {  	[smem:$0x3FB3] =	sst s6  }
0xf: {  	[smem:$0x3FB4] =	sst s7  }
0x10: {  	[smem:$0x3FB5] =	sst s8  }
0x11: {  	[smem:$0x3FB6] =	sst s9;
	s0 =	simm.s32 @!p0 $0x0  }
0x12: {  	s1 =	sld [smem:$0x3F9C];
	s0 =	simm.s32 @p0 $0x1  }
0x13: {  	[smem:$0x3FB7] =	sst s0;
	s0 =	simm.s32 @!p1 $0x0  }
0x14: {  	s2 =	sld [smem:$0x3F9B];
	s0 =	simm.s32 @p1 $0x1  }
0x15: {  	[smem:$0x3FB8] =	sst s0;
	s0 =	simm.s32 @!p2 $0x0  }
0x16: {  	s3 =	sld [smem:$0x3FDB];
	s0 =	simm.s32 @p2 $0x1  }
0x17: {  	s4 =	simm.s32 $0x1BF5;
	[smem:$0x3FBA] =	sst s0  }
0x18: {  	s0 =	sld [smem:$0x3F9D];
	_ =	swait.ge [sflag:s4], $0x0  }
0x19: {  	s7 =	sld [smem:$0x3F9E]  }
0x1a: {  	s8 =	sadd.s32 $0xFFFFE003, lr  }
0x1b: {  	s9 =	sadd.s32 $0xFFFFFEF7, lr;
	s5 =	simm.s32 $0xFFFFFFFF;
	p2 =	slt.u32 s8, $0xFFFFF086  }
0x1c: {  	p1 =	slt.u32 s9, $0xF7A;
	s5 =	simm.s32 @!p2 $0x0  }
0x1d: {  	s5 =	simm.s32 @p1 $0x1;
	p0 =	seq.s32 s7, s2  }
0x1e: {  	s7 =	smul.u32 @!p0 $0xF7A, s2;
	p2 =	seq.s32 @!p0 s5, $0x0  }
0x1f: {  	s9 =	smul.u32 $0xF7A, s1;
	s8 =	simm.s32 @!p0 $0x1BF5;
	p2 =	por !p2, p0  }
0x20: {  	[sflag:s8] =	ssyncset.s32 @!p0 $0xFFFFF086;
	s6 =	sadd.s32 @!p0 s3, s7;
	s7 =	simm.s32 @!p0 $0x108  }
0x21: {  	s3 =	sadd.s32 s3, s9;
	s6 =	sadd.s32 @!p0 $0x88, s6;
	s7 =	simm.s32 @p2 $0x1082  }
0x22: {  	[simem:s7], [sflag:s8] =	dma.local @!p0 [hbm:s6], $0xF7A  }
0x23: {  	s9 =	sor.u32 $0xD0000000, s2;
	s6 =	simm.s32 $0x108;
	_ =	swait.ge @!p0 [sflag:s8], $0x0  }
0x24: {  	s3 =	sadd.s32 $0x88, s3;
	s6 =	simm.s32 @!p1 $0x1082;
	[sflag:s4] =	ssyncset.s32 $0xFFFFF086  }
0x25: {  	[simem:s6], [sflag:s4] =	dma.local [hbm:s3], $0xF7A  }
0x26: {  	[smem:$0x3F9E] =	sst s1;
	(tag) =	ssettag s2;
	_ =	strace s9  }
0x27: {  	s1 =	sld [smem:$0x3FAE]  }
0x28: {  	s2 =	sld [smem:$0x3FAF]  }
0x29: {  	s4 =	sld [smem:$0x3FB1]  }
0x2a: {  	p0 =	seq.s32 s5, $0x0;
	s5 =	sld [smem:$0x3FB2]  }
0x2b: {  	s6 =	sld [smem:$0x3FB3]  }
0x2c: {  	s7 =	sld [smem:$0x3FB4]  }
0x2d: {  	s3 =	simm.s32 $0x108;
	s8 =	sld [smem:$0x3FB5]  }
0x2e: {  	s3 =	simm.s32 @!p0 $0x1082;
	s9 =	sld [smem:$0x3FB6]  }
0x2f: {  	lr =	sadd.s32 s0, s3;
	s0 =	sld [smem:$0x3FAD]  }
0x30: {  	s3 =	sld [smem:$0x3FB0]  }
0x31: {  	[smem:$0x3FB9] =	sst s10  }
0x32: {  	s10 =	sld [smem:$0x3FB7];
	_ =	sdelay $0x3  }
0x33: {  	p0 =	seq.s32 s10, $0x1;
	s10 =	sld [smem:$0x3FB9];
	_ =	sdelay $0x3  }
0x34: {  	[smem:$0x3FB9] =	sst s10  }
0x35: {  	s10 =	sld [smem:$0x3FB8];
	_ =	sdelay $0x3  }
0x36: {  	p1 =	seq.s32 s10, $0x1;
	s10 =	sld [smem:$0x3FB9];
	_ =	sdelay $0x3  }
0x37: {  	[smem:$0x3FB9] =	sst s10  }
0x38: {  	s10 =	sld [smem:$0x3FBA]  }
0x39: {  	_ = 	snop;
	(pc) =	sbr.ind lr, $3  }
0x3a: {  	_ = 	snop  }
0x3b: {  	_ = 	snop  }
0x3c: {  	p2 =	seq.s32 s10, $0x1;
	s10 =	sld [smem:$0x3FB9]  }
0x3d: {  	_ =	shalt  }
0x3e: {  	_ =	shalt  }
0x3f: {  	_ =	shalt  }
0x40: {  	_ =	shalt  }
0x41: {  	_ =	shalt  }
0x42: {  	_ =	shalt  }
0x43: {  	_ =	shalt  }
0x44: {  	_ =	shalt  }
0x45: {  	_ =	shalt  }
0x46: {  	_ =	shalt  }
0x47: {  	_ =	shalt  }
0x48: {  	_ =	shalt  }
0x49: {  	_ =	shalt  }
0x4a: {  	_ =	shalt  }
0x4b: {  	_ =	shalt  }
0x4c: {  	_ =	shalt  }
0x4d: {  	_ =	shalt  }
0x4e: {  	_ =	shalt  }
0x4f: {  	_ =	shalt  }
0x50: {  	_ =	shalt  }
0x51: {  	_ =	shalt  }
0x52: {  	_ =	shalt  }
0x53: {  	_ =	shalt  }
0x54: {  	_ =	shalt  }
0x55: {  	_ =	shalt  }
0x56: {  	_ =	shalt  }
0x57: {  	_ =	shalt  }
0x58: {  	_ =	shalt  }
0x59: {  	_ =	shalt  }
0x5a: {  	_ =	shalt  }
0x5b: {  	_ =	shalt  }
0x5c: {  	_ =	shalt  }
0x5d: {  	_ =	shalt  }
0x5e: {  	_ =	shalt  }
0x5f: {  	_ =	shalt  }
0x60: {  	_ =	shalt  }
0x61: {  	_ =	shalt  }
0x62: {  	_ =	shalt  }
0x63: {  	_ =	shalt  }
0x64: {  	_ =	shalt  }
0x65: {  	_ =	shalt  }
0x66: {  	_ =	shalt  }
0x67: {  	_ =	shalt  }
0x68: {  	_ =	shalt  }
0x69: {  	_ =	shalt  }
0x6a: {  	_ =	shalt  }
0x6b: {  	_ =	shalt  }
0x6c: {  	_ =	shalt  }
0x6d: {  	_ =	shalt  }
0x6e: {  	_ =	shalt  }
0x6f: {  	_ =	shalt  }
0x70: {  	_ =	shalt  }
0x71: {  	_ =	shalt  }
0x72: {  	_ =	shalt  }
0x73: {  	_ =	shalt  }
0x74: {  	_ =	shalt  }
0x75: {  	_ =	shalt  }
0x76: {  	_ =	shalt  }
0x77: {  	_ =	shalt  }
0x78: {  	_ =	shalt  }
0x79: {  	_ =	shalt  }
0x7a: {  	_ =	shalt  }
0x7b: {  	_ =	shalt  }
0x7c: {  	_ =	shalt  }
0x7d: {  	_ =	shalt  }
0x7e: {  	_ =	shalt  }
0x7f: {  	_ =	shalt  }
0x80: {  	_ =	shalt  }
0x81: {  	_ =	shalt  }
0x82: {  	_ =	shalt  }
0x83: {  	_ =	shalt  }
0x84: {  	_ =	shalt  }
0x85: {  	_ =	shalt  }
0x86: {  	_ =	shalt  }
0x87: {  	_ =	shalt  }
.Lfunc_end0:
.L_simem_size_0:
called_computation.2_lowered:
.L_overlay_start_0:
0x88: {  	s2 =	sld [smem:$0x3FD9]  }
0x89: {  	s3 =	sld [smem:$0x3FFE];
	_ =	sdelay $0x1  }
0x8a: {  	s1 =	srdreg.scid  }
0x8b: {  	s0 =	sand.u32 $0x1, s1  }
0x8c: {  	s14 =	sshll.u32 s0, $0xA;
	s2 =	sadd.s32 s3, s2  }
0x8d: {  	s2 =	sadd.s32 s2, s14  }
0x8e: {  	[smem:$0x3FC5] =	sst s2  }
0x8f: {  	_ = 	snop  }
0x90: {  	s2 =	sld [smem:$0x3FD0];
	_ =	sdelay $0x2  }
0x91: {  	s15 =	simm.s32 $0xA;
	s4 =	simm.s32 $0x10  }
0x92: {  	[smem:s4], [sflag:s15] =	dma.local [hbm:s2], $0x1  }
0x93: {  	_ =	swait.eq [sflag:s15], $0x1  }
0x94: {  	[sflag:s15] =	ssyncset.done $0x0  }
0x95: {  	s16 =	sld [smem:$0x11];
	[sflag:s15] =	ssyncadd.s32 $0xFFFFFFFF  }
0x96: {  	s17 =	sld [smem:$0x12];
	(tm) =	ssettm $0x1  }
0x97: {  	s18 =	sld [smem:$0x3FFB];
	_ =	sdelay $0x3  }
0x98: {  	_ =	strace s18  }
0x99: {  	s4 =	sld [smem:$0x3FFC];
	_ =	sdelay $0x3  }
0x9a: {  	_ =	strace s4  }
0x9b: {  	s4 =	sld [smem:$0x3FFD];
	_ =	sdelay $0x3  }
0x9c: {  	_ =	strace s4  }
0x9d: {  	_ =	strace $0x8FFFFFFF  }
0x9e: {  	s19 =	sld [smem:$0x3FDB];
	_ =	sdelay $0x1  }
0x9f: {  	s5 =	simm.s32 $_scs_section_size  }
0xa0: {  	s6 =	simm.s32 $_size__tile_overlayer_lowered;
	s7 =	simm.s32 $_tile_overlayer_lowered  }
0xa1: {  	s22 =	simm.s32 $0x1BFF;
	s21 =	sshll.u32 s7, $0x1;
	s4 =	sadd.s32 s5, s19  }
0xa2: {  	s8 =	simm.s32 $0x0;
	s20 =	sshll.u32 s6, $0x1;
	s6 =	sadd.s32 s21, s4  }
0xa3: {  	[timem:s8], [sflag:s22] =	dma.local [hbm:s6], s20  }
0xa4: {  	_ =	swait.ge [sflag:s22], s20  }
0xa5: {  	s5 =	ssub.s32 $0x0, s20;
	[sflag:s22] =	ssyncset.done $0x0  }
0xa6: {  	[sflag:s22] =	ssyncadd.s32 s5;
	_ =	sdelay $0x1  }
0xa7: {  	s23 =	simm.s32 $0x1B8B  }
0xa8: {  	_ =	swait.ge [sflag:s23], $0x1  }
0xa9: {  	[sflag:s23] =	ssyncset.done $0x0  }
0xaa: {  	s25 =	simm.s32 $0x1B8E;
	s24 =	sld [smem:$0x3FFE];
	[sflag:s23] =	ssyncadd.s32 $0xFFFFFFFF  }
0xab: {  	s26 =	simm.s32 $execute0_lowered;
	[smem:$0x3FD2] =	sst s25  }
0xac: {  	s6 =	sshll.u32 s26, $0x1;
	_ =	strace $0x8000004C;
	[dreg:$0x1] =	wrdreg $0xFFFFFFFF  }
0xad: {  	s28 =	simm.s32 $_size_execute0_lowered;
	s4 =	sadd.s32 s4, s6;
	[dreg:$0x0] =	wrdreg $0x0  }
0xae: {  	s6 =	sshll.u32 s28, $0x1;
	[dreg:$0x2] =	wrdreg s4  }
0xaf: {  	[dreg:$0x3] =	wrdreg s6  }
0xb0: {  	[dreg:$0x4] =	wrdreg $0xC0  }
0xb1: {  	_ =	task [dreg:s8], $0x5FFFF  }
0xb2: {  	[dreg:$0x1] =	wrdreg $0xFFFFFFFF  }
0xb3: {  	[dreg:$0x0] =	wrdreg $0x60  }
0xb4: {  	[dreg:$0x2] =	wrdreg s24  }
0xb5: {  	[dreg:$0x3] =	wrdreg s17  }
0xb6: {  	[dreg:$0x4] =	wrdreg s16  }
0xb7: {  	[dreg:$0x5] =	wrdreg $0x9  }
0xb8: {  	_ =	task.clear_ibuf [dreg:s8], $0x6FFFF;
	_ =	strace $0x9000004C  }
0xb9: {  	s29 =	simm.s32 $0x9;
	_ =	strace $0x8000004E  }
0xba: {  	_ =	swait.ge [sflag:s29], $0x1  }
0xbb: {  	[sflag:s29] =	ssyncadd.s32 $0xFFFFFFFF  }
0xbc: {  	_ =	strace $0x9000004E  }
0xbd: {  	_ =	sfence  }
0xbe: {  	s30 =	sld [smem:$0x0];
	_ =	sdelay $0x2  }
0xbf: {  	s31 =	sshll.u32 s1, $0xD;
	s1 =	sshrl.u32 s1, $0x2  }
0xc0: {  	s3 =	sand.u32 $0x4000, s31;
	s1 =	sadd.s32 s1, s30  }
0xc1: {  	s0 =	sor.u32 s3, s0;
	s1 =	sshll.u32 s1, $0x11  }
0xc2: {  	s0 =	sor.u32 s1, s0  }
0xc3: {  	s0 =	sadd.s32 $0x8F2B, s0  }
0xc4: {  	[sflag:s0] =	ssyncadd.remote.s32 $0x1  }
0xc5: {  	_ =	sfence.sel $0xFFFF  }
0xc6: {  	[dreg:$0x0] =	wrdreg $0xFFFFFFFF;
	(pc) =	sbr.abs _section_cstart, $3  }
0xc7: {  	[dreg:$0x1] =	wrdreg $0xFFFFFFFF  }
0xc8: {  	_ =	task.clear_ibuf [dreg:s8], $0x2FFFF;
	_ =	strace $0x9FFFFFFF  }
0xc9: {  	(tm) =	ssettm $0x7FFFFFFF  }
tec
execute0_lowered:
.L_overlay_start_1:
0x0: {  	(tag) =	ssettag $0x1  }
0x1: {  	s2 =	rddreg [dreg:$0x0]  }
0x2: {  	s3 =	rddreg [dreg:$0x1];
	s0 =	stileid.u32  }
0x3: {  	s1 =	srdreg.scid;
	s4 =	rddreg [dreg:$0x2];
	s9 =	simm.s32 $0x1  }
0x4: {  	s10 =	simm.s32 $0x3;
	s5 =	sand.u32 $0x1, s1;
	s6 =	sshll.u32 s0, $0x1  }
0x5: {  	s13 =	simm.s32 $0x0;
	s12 =	simm.s32 $0x0;
	s7 =	sor.u32 s6, s5  }
0x6: {  	s1 =	rddreg [dreg:$0x3];
	_ =	strace $0x8000004D;
	s5 =	smul.u32 $0x1400, s7  }
0x7: {  	s6 =	simm.s32 $0x1;
	p0 =	slt.u32 s7, $0x9;
	s7 =	simm.s32 $0x28000  }
.Ltmp0:
0x8: {  	s7 =	simm.s32 @!p0 $0x0;
	s8 =	ssub.s32 $0x32000, s5;
	(pc) =	sbr.rel .LBB2_1-.Ltmp0, $4  }
0x9: {  	s9 =	simm.s32 @!p0 $0x0;
	p0 =	sne.s32 s8, s7;
	s8 =	simm.s32 $0x1  }
0xa: {  	[sflag:s6] =	ssyncpa.u1 $0x0;
	s7 =	simm.s32 $0x2;
	s8 =	simm.s32 @!p0 $0x0  }
0xb: {  	s11 =	smov.u32 s5;
	[sflag:s7] =	ssyncpa.u1 $0x0;
	s8 =	sadd.s32 s9, s8  }
0xc: {  	vm0 =	vmmov $0xffff;
	[sflag:s10] =	ssyncpa.u1 $0x0;
	s10 =	simm.s32 $0x0;
	s9 =	sadd.s32 $0x1, s8  }
.LBB2_4:
0xd: {  	vm1 =	veq.s32 v0, $0x80000000;
	v63 =	vand.u32 $0x3FF, v0;
	v2 =	vand.u32 $0x7FF, v2  }
0xe: {  	v0 =	vsel vm1, $0xFFFFFFFF, v63;
	v2 =	vsel vm1, $0xFFFFFFFF, v2  }
0xf: {  	v3 =	vshll.u32 v0, $0xB;
	v4 =	vshll.u32 v2, $0x3  }
0x10: {  	v0 =	vshll.u32 v0, $0x7;
	v3 =	vand.u32 $0xFFFFC000, v3;
	v4 =	vand.u32 $0xFFFFFC00, v4  }
0x11: {  	v0 =	vand.u32 $0x380, v0;
	v3 =	vadd.s32 v3, v4  }
0x12: {  	v2 =	vand.u32 $0x7F, v2;
	v0 =	vor.u32 v0, v3  }
0x13: {  	v0 =	vor.u32 v2, v0;
	_ =	sdelay $0x1  }
0x14: {  	(ifvalue) =	ssetifvalue $0x7FFFFFFF;
	s15 =	sadd.s32 $0x10, s15  }
0x15: {  	[tilespmem:s15], [sflag:$0x1] =	stream.indirect_vreg.gather [hbm4b:s2+s10], $0x1, v1, vm0, $0x4038;
	[tilespmem:$0x5000] =	vst v63  }
0x16: {  	(ifvalue) =	ssetifvalue $0x7FFFFFFF;
	s15 =	sadd.s32 $0x10, s15  }
0x17: {  	[tilespmem:s15], [sflag:$0x1] =	stream.indirect_vreg.gather [hbm4b:s2+s10], $0x1, v0, vm0, $0x4038;
	[tilespmem:$0x5000] =	vst v63  }
0x18: {  	_ =	swait.ge [sflag:s6], $0x1400  }
0x19: {  	s30 =	sshrl.u32 s13, $0x3;
	[sflag:s6] =	ssyncset.done $0x0  }
0x1a: {  	s31 =	sand.u32 $0x7, s13;
	s15 =	sadd.s32 s4, s30;
	[sflag:s6] =	ssyncadd.s32 $0xFFFFEC00  }
0x1b: {  	[hbm4b:s15+s31] =	stream.linear.scatter [tilespmem:s14], [sflag:$0x3], $0x1400, $0x38;
	[tilespmem:$0x5000] =	vst v63  }
.LBB2_5:
0x1c: {  	s15 =	sadd.s32 $0x28000, s11  }
0x1d: {  	p1 =	sgt.s32 s15, $0x31FFF  }
0x1e: {  	s15 =	smov.u32 @p1 s5;
	p1 =	sne.s32 s12, s9  }
.Ltmp1:
0x1f: {  	p0 =	slt.u32 s12, $0x2;
	(pc) =	sbr.rel @!p1 .LBB2_6-.Ltmp1, $4  }
0x20: {  	s14 =	simm.s32 @!p0 $0x3  }
0x21: {  	_ =	swait.ge @!p0 [sflag:s14], $0x1400  }
0x22: {  	s16 =	sadd.s32 $0x1, s12;
	s13 =	smov.u32 s11;
	[sflag:s14] =	ssyncset.done @!p0 $0x0  }
0x23: {  	s12 =	smov.u32 s16;
	s11 =	smov.u32 s15;
	[sflag:s14] =	ssyncadd.s32 @!p0 $0xFFFFEC00  }
.LBB2_1:
0x24: {  	p0 =	sge.u32 s12, s8  }
0x25: {  	s14 =	sxor.u32 @!p0 $0x1, s12  }
0x26: {  	s14 =	smul.u32 @!p0 $0x5000, s14  }
0x27: {  	s31 =	sadd.s32 $0xFFFFFFFF, s12;
	s15 =	sshrl.u32 @!p0 s11, $0x3  }
0x28: {  	s16 =	sand.u32 @!p0 $0x7, s11;
	s15 =	sadd.s32 @!p0 s3, s15;
	s14 =	sshra.s32 @!p0 s14, $0x2  }
0x29: {  	[tilespmem:s14], [sflag:$0x2] =	stream.linear.gather @!p0 [hbm4b:s15+s16], $0x1400, $0x38;
	[tilespmem:$0x5000] =	vst v63  }
0x2a: {  	p0 =	sge.u32 s31, s8  }
.Ltmp2:
0x2b: {  	_ = 	snop;
	(pc) =	sbr.rel @p0 .LBB2_5-.Ltmp2, $1  }
0x2c: {  	_ =	sdelay $0x3  }
0x2d: {  	s14 =	sand.u32 $0x1, s12  }
0x2e: {  	_ =	swait.ge [sflag:s7], $0x1400;
	p0 =	seq.s32 s14, $0x1;
	s14 =	simm.s32 $0x1400  }
0x2f: {  	[sflag:s7] =	ssyncset.done $0x0;
	s14 =	simm.s32 @!p0 $0x0  }
0x30: {  	[sflag:s7] =	ssyncadd.s32 $0xFFFFEC00;
	(ifvalue) =	ssetifvalue $0x7FFFFFFF;
	v0 =	vld.msk [tilespmem:s14+$0x0 ss:$0x1], $0xffff;
	_ =	sdelay $0x3  }
0x31: {  	s15 =	sadd.s32 $0x10, s14  }
0x32: {  	v2 =	vld.msk [tilespmem:s15+$0x0 ss:$0x1], $0xffff;
	v1 =	vshrl.u32 v0, $0xA  }
0x33: {  	vm1 =	veq.s32 v0, $0x80000000;
	v0 =	vand.u32 $0x3FF, v0;
	v1 =	vand.u32 $0x7FF, v1  }
0x34: {  	v0 =	vsel vm1, $0xFFFFFFFF, v0;
	v1 =	vsel vm1, $0xFFFFFFFF, v1  }
0x35: {  	v3 =	vshll.u32 v0, $0xB;
	v4 =	vshll.u32 v1, $0x3  }
0x36: {  	v0 =	vshll.u32 v0, $0x7;
	v3 =	vand.u32 $0xFFFFC000, v3;
	v4 =	vand.u32 $0xFFFFFC00, v4  }
0x37: {  	vm1 =	veq.s32 v2, $0x80000000;
	v0 =	vand.u32 $0x380, v0;
	v3 =	vadd.s32 v3, v4  }
0x38: {  	v1 =	vand.u32 $0x7F, v1;
	v0 =	vor.u32 v0, v3;
	v3 =	vshrl.u32 v2, $0xA  }
0x39: {  	s15 =	sadd.s32 $0x10, s15;
	v2 =	vand.u32 $0x3FF, v2;
	v1 =	vor.u32 v1, v0;
	v3 =	vand.u32 $0x7FF, v3  }
0x3a: {  	v0 =	vld.msk [tilespmem:s15+$0x0 ss:$0x1], $0xffff;
	v2 =	vsel vm1, $0xFFFFFFFF, v2;
	v3 =	vsel vm1, $0xFFFFFFFF, v3  }
0x3b: {  	v63 =	vshll.u32 v2, $0xB;
	v5 =	vshll.u32 v3, $0x3  }
0x3c: {  	v2 =	vshll.u32 v2, $0x7;
	v4 =	vand.u32 $0xFFFFC000, v63;
	v5 =	vand.u32 $0xFFFFFC00, v5  }
0x3d: {  	s14 =	sor.u32 $0x2800, s14;
	(ifvalue) =	ssetifvalue $0x7FFFFFFF;
	v2 =	vand.u32 $0x380, v2;
	v4 =	vadd.s32 v4, v5  }
0x3e: {  	[tilespmem:s14], [sflag:$0x1] =	stream.indirect_vreg.gather [hbm4b:s2+s10], $0x1, v1, vm0, $0x4038;
	v1 =	vand.u32 $0x7F, v3;
	v3 =	vor.u32 v2, v4;
	[tilespmem:$0x5000] =	vst v63  }
0x3f: {  	s16 =	simm.s32 $0x20;
	s17 =	sadd.s32 $0x10, s15;
	s15 =	smov.u32 s14;
	v2 =	vshrl.u32 v0, $0xA;
	v1 =	vor.u32 v1, v3  }
.LBB2_3:
0x40: {  	s16 =	sadd.s32 $0x10, s16;
	vm1 =	veq.s32 v0, $0x80000000;
	v3 =	vand.u32 $0x3FF, v0;
	v0 =	vld.msk [tilespmem:s17+$0x0 ss:$0x1], $0xffff;
	v2 =	vand.u32 $0x7FF, v2  }
0x41: {  	p0 =	slt.u32 s16, $0x13F0;
	v3 =	vsel vm1, $0xFFFFFFFF, v3;
	v2 =	vsel vm1, $0xFFFFFFFF, v2  }
.Ltmp3:
0x42: {  	v4 =	vshll.u32 v3, $0xB;
	v5 =	vshll.u32 v2, $0x3;
	(pc) =	sbr.rel @p0 .LBB2_3-.Ltmp3, $4  }
0x43: {  	s15 =	sadd.s32 $0x10, s15;
	v3 =	vshll.u32 v3, $0x7;
	v4 =	vand.u32 $0xFFFFC000, v4;
	v5 =	vand.u32 $0xFFFFFC00, v5;
	(ifvalue) =	ssetifvalue $0x7FFFFFFF  }
0x44: {  	v3 =	vand.u32 $0x380, v3;
	v4 =	vadd.s32 v4, v5;
	[tilespmem:s15], [sflag:$0x1] =	stream.indirect_vreg.gather [hbm4b:s2+s10], $0x1, v1, vm0, $0x4038;
	[tilespmem:$0x5000] =	vst v63  }
0x45: {  	v1 =	vand.u32 $0x7F, v2;
	v3 =	vor.u32 v3, v4  }
0x46: {  	s17 =	sadd.s32 $0x10, s17;
	v2 =	vshrl.u32 v0, $0xA;
	v1 =	vor.u32 v1, v3  }
.Ltmp4:
0x47: {  	_ = 	snop;
	(pc) =	sbr.rel .LBB2_4-.Ltmp4, $1  }
0x48: {  	_ =	sdelay $0x3  }
.LBB2_6:
0x49: {  	_ =	sfence.sel $0x180000  }
0x4a: {  	s2 =	simm.s32 $0x2;
	[bflag:$0x0] =	sbarrier.arrive $0xFFFF  }
0x4b: {  	s30 =	simm.s32 $0x3;
	[sflag:s2] =	ssyncpa.u1 $0x1  }
0x4c: {  	s31 =	simm.s32 $0x1;
	[sflag:s30] =	ssyncpa.u1 $0x1  }
0x4d: {  	[sflag:s31] =	ssyncpa.u1 $0x1  }
0x4e: {  	p0 =	sne.s32 s0, $0x0;
	_ =	strace $0x9000004D  }
0x4f: {  	s0 =	sadd.s32 @!p0 $0x100000, s1;
	[bflag:$0x2] =	sbarrier.arrive $0xFFFF  }
0x50: {  	[sflag:s0] =	ssyncadd.tile.s32 @!p0 $0x1;
	_ =	shalt  }
.Lfunc_end2:
_tile_overlayer_lowered:
.L_overlay_start_2:
0x51: {  	(tag) =	ssettag $0x2  }
0x52: {  	s0 =	rddreg [dreg:$0x0];
	s2 =	stileid.u32  }
0x53: {  	s1 =	rddreg [dreg:$0x1];
	p0 =	sne.s32 s2, $0x0  }
0x54: {  	s3 =	rddreg [dreg:$0x2];
	[bflag:$0x3] =	sbarrier.arrive $0xFFFF;
	s2 =	simm.s32 @!p0 $0x1C01  }
0x55: {  	[timem:s3], [sflag:s2] =	dma.local @!p0 [hbm:s0], s1  }
0x56: {  	s0 =	simm.s32 @!p0 $0x1  }
0x57: {  	_ =	swait.ge @!p0 [sflag:s0], s1  }
0x58: {  	s1 =	ssub.s32 @!p0 $0x0, s1;
	[sflag:s0] =	ssyncset.done @!p0 $0x0  }
0x59: {  	[sflag:s0] =	ssyncadd.s32 @!p0 s1  }
0x5a: {  	[bflag:$0x3] =	sbarrier.arrive $0xFFFF  }
0x5b: {  	_ =	shalt  }

// kernel: gather_offload_async_start
scs
__scs_entry_jumppad:
0x0: {  	(pc) =	sbr.rel $0x88, $3  }
0x1: {  	(tag) =	ssettag $0x0;
	lr =	simm.s32 $0x1  }
0x2: {  	[smem:$0x3F9E] =	sst lr;
	_ =	strace $0xD0000000  }
0x3: {  	_ = 	snop  }
0x4: {  	_ = 	snop  }
0x5: {  	_ = 	snop  }
0x6: {  	_ = 	snop  }
0x7: {  	_ = 	snop  }
__scs_overlays_trampoline_lowered:
0x8: {  	[smem:$0x3FAD] =	sst s0  }
0x9: {  	[smem:$0x3FAE] =	sst s1  }
0xa: {  	[smem:$0x3FAF] =	sst s2  }
0xb: {  	[smem:$0x3FB0] =	sst s3  }
0xc: {  	[smem:$0x3FB1] =	sst s4  }
0xd: {  	[smem:$0x3FB2] =	sst s5  }
0xe: {  	[smem:$0x3FB3] =	sst s6  }
0xf: {  	[smem:$0x3FB4] =	sst s7  }
0x10: {  	[smem:$0x3FB5] =	sst s8  }
0x11: {  	[smem:$0x3FB6] =	sst s9;
	s0 =	simm.s32 @!p0 $0x0  }
0x12: {  	s1 =	sld [smem:$0x3F9C];
	s0 =	simm.s32 @p0 $0x1  }
0x13: {  	[smem:$0x3FB7] =	sst s0;
	s0 =	simm.s32 @!p1 $0x0  }
0x14: {  	s2 =	sld [smem:$0x3F9B];
	s0 =	simm.s32 @p1 $0x1  }
0x15: {  	[smem:$0x3FB8] =	sst s0;
	s0 =	simm.s32 @!p2 $0x0  }
0x16: {  	s3 =	sld [smem:$0x3FDB];
	s0 =	simm.s32 @p2 $0x1  }
0x17: {  	s4 =	simm.s32 $0x1BF5;
	[smem:$0x3FBA] =	sst s0  }
0x18: {  	s0 =	sld [smem:$0x3F9D];
	_ =	swait.ge [sflag:s4], $0x0  }
0x19: {  	s7 =	sld [smem:$0x3F9E]  }
0x1a: {  	s8 =	sadd.s32 $0xFFFFE003, lr  }
0x1b: {  	s9 =	sadd.s32 $0xFFFFFEF7, lr;
	s5 =	simm.s32 $0xFFFFFFFF;
	p2 =	slt.u32 s8, $0xFFFFF086  }
0x1c: {  	p1 =	slt.u32 s9, $0xF7A;
	s5 =	simm.s32 @!p2 $0x0  }
0x1d: {  	s5 =	simm.s32 @p1 $0x1;
	p0 =	seq.s32 s7, s2  }
0x1e: {  	s7 =	smul.u32 @!p0 $0xF7A, s2;
	p2 =	seq.s32 @!p0 s5, $0x0  }
0x1f: {  	s9 =	smul.u32 $0xF7A, s1;
	s8 =	simm.s32 @!p0 $0x1BF5;
	p2 =	por !p2, p0  }
0x20: {  	[sflag:s8] =	ssyncset.s32 @!p0 $0xFFFFF086;
	s6 =	sadd.s32 @!p0 s3, s7;
	s7 =	simm.s32 @!p0 $0x108  }
0x21: {  	s3 =	sadd.s32 s3, s9;
	s6 =	sadd.s32 @!p0 $0x88, s6;
	s7 =	simm.s32 @p2 $0x1082  }
0x22: {  	[simem:s7], [sflag:s8] =	dma.local @!p0 [hbm:s6], $0xF7A  }
0x23: {  	s9 =	sor.u32 $0xD0000000, s2;
	s6 =	simm.s32 $0x108;
	_ =	swait.ge @!p0 [sflag:s8], $0x0  }
0x24: {  	s3 =	sadd.s32 $0x88, s3;
	s6 =	simm.s32 @!p1 $0x1082;
	[sflag:s4] =	ssyncset.s32 $0xFFFFF086  }
0x25: {  	[simem:s6], [sflag:s4] =	dma.local [hbm:s3], $0xF7A  }
0x26: {  	[smem:$0x3F9E] =	sst s1;
	(tag) =	ssettag s2;
	_ =	strace s9  }
0x27: {  	s1 =	sld [smem:$0x3FAE]  }
0x28: {  	s2 =	sld [smem:$0x3FAF]  }
0x29: {  	s4 =	sld [smem:$0x3FB1]  }
0x2a: {  	p0 =	seq.s32 s5, $0x0;
	s5 =	sld [smem:$0x3FB2]  }
0x2b: {  	s6 =	sld [smem:$0x3FB3]  }
0x2c: {  	s7 =	sld [smem:$0x3FB4]  }
0x2d: {  	s3 =	simm.s32 $0x108;
	s8 =	sld [smem:$0x3FB5]  }
0x2e: {  	s3 =	simm.s32 @!p0 $0x1082;
	s9 =	sld [smem:$0x3FB6]  }
0x2f: {  	lr =	sadd.s32 s0, s3;
	s0 =	sld [smem:$0x3FAD]  }
0x30: {  	s3 =	sld [smem:$0x3FB0]  }
0x31: {  	[smem:$0x3FB9] =	sst s10  }
0x32: {  	s10 =	sld [smem:$0x3FB7];
	_ =	sdelay $0x3  }
0x33: {  	p0 =	seq.s32 s10, $0x1;
	s10 =	sld [smem:$0x3FB9];
	_ =	sdelay $0x3  }
0x34: {  	[smem:$0x3FB9] =	sst s10  }
0x35: {  	s10 =	sld [smem:$0x3FB8];
	_ =	sdelay $0x3  }
0x36: {  	p1 =	seq.s32 s10, $0x1;
	s10 =	sld [smem:$0x3FB9];
	_ =	sdelay $0x3  }
0x37: {  	[smem:$0x3FB9] =	sst s10  }
0x38: {  	s10 =	sld [smem:$0x3FBA]  }
0x39: {  	_ = 	snop;
	(pc) =	sbr.ind lr, $3  }
0x3a: {  	_ = 	snop  }
0x3b: {  	_ = 	snop  }
0x3c: {  	p2 =	seq.s32 s10, $0x1;
	s10 =	sld [smem:$0x3FB9]  }
0x3d: {  	_ =	shalt  }
0x3e: {  	_ =	shalt  }
0x3f: {  	_ =	shalt  }
0x40: {  	_ =	shalt  }
0x41: {  	_ =	shalt  }
0x42: {  	_ =	shalt  }
0x43: {  	_ =	shalt  }
0x44: {  	_ =	shalt  }
0x45: {  	_ =	shalt  }
0x46: {  	_ =	shalt  }
0x47: {  	_ =	shalt  }
0x48: {  	_ =	shalt  }
0x49: {  	_ =	shalt  }
0x4a: {  	_ =	shalt  }
0x4b: {  	_ =	shalt  }
0x4c: {  	_ =	shalt  }
0x4d: {  	_ =	shalt  }
0x4e: {  	_ =	shalt  }
0x4f: {  	_ =	shalt  }
0x50: {  	_ =	shalt  }
0x51: {  	_ =	shalt  }
0x52: {  	_ =	shalt  }
0x53: {  	_ =	shalt  }
0x54: {  	_ =	shalt  }
0x55: {  	_ =	shalt  }
0x56: {  	_ =	shalt  }
0x57: {  	_ =	shalt  }
0x58: {  	_ =	shalt  }
0x59: {  	_ =	shalt  }
0x5a: {  	_ =	shalt  }
0x5b: {  	_ =	shalt  }
0x5c: {  	_ =	shalt  }
0x5d: {  	_ =	shalt  }
0x5e: {  	_ =	shalt  }
0x5f: {  	_ =	shalt  }
0x60: {  	_ =	shalt  }
0x61: {  	_ =	shalt  }
0x62: {  	_ =	shalt  }
0x63: {  	_ =	shalt  }
0x64: {  	_ =	shalt  }
0x65: {  	_ =	shalt  }
0x66: {  	_ =	shalt  }
0x67: {  	_ =	shalt  }
0x68: {  	_ =	shalt  }
0x69: {  	_ =	shalt  }
0x6a: {  	_ =	shalt  }
0x6b: {  	_ =	shalt  }
0x6c: {  	_ =	shalt  }
0x6d: {  	_ =	shalt  }
0x6e: {  	_ =	shalt  }
0x6f: {  	_ =	shalt  }
0x70: {  	_ =	shalt  }
0x71: {  	_ =	shalt  }
0x72: {  	_ =	shalt  }
0x73: {  	_ =	shalt  }
0x74: {  	_ =	shalt  }
0x75: {  	_ =	shalt  }
0x76: {  	_ =	shalt  }
0x77: {  	_ =	shalt  }
0x78: {  	_ =	shalt  }
0x79: {  	_ =	shalt  }
0x7a: {  	_ =	shalt  }
0x7b: {  	_ =	shalt  }
0x7c: {  	_ =	shalt  }
0x7d: {  	_ =	shalt  }
0x7e: {  	_ =	shalt  }
0x7f: {  	_ =	shalt  }
0x80: {  	_ =	shalt  }
0x81: {  	_ =	shalt  }
0x82: {  	_ =	shalt  }
0x83: {  	_ =	shalt  }
0x84: {  	_ =	shalt  }
0x85: {  	_ =	shalt  }
0x86: {  	_ =	shalt  }
0x87: {  	_ =	shalt  }
.Lfunc_end0:
.L_simem_size_0:
called_computation.1_lowered:
.L_overlay_start_0:
0x88: {  	s2 =	sld [smem:$0x3FD9]  }
0x89: {  	s3 =	sld [smem:$0x3FFE];
	_ =	sdelay $0x1  }
0x8a: {  	s1 =	srdreg.scid  }
0x8b: {  	s0 =	sand.u32 $0x1, s1  }
0x8c: {  	s16 =	sshll.u32 s0, $0xA;
	s2 =	sadd.s32 s3, s2  }
0x8d: {  	s2 =	sadd.s32 s2, s16  }
0x8e: {  	[smem:$0x3FC5] =	sst s2  }
0x8f: {  	_ = 	snop  }
0x90: {  	(tm) =	ssettm $0x1  }
0x91: {  	s17 =	sld [smem:$0x3FFB];
	_ =	sdelay $0x3  }
0x92: {  	_ =	strace s17  }
0x93: {  	s2 =	sld [smem:$0x3FFC];
	_ =	sdelay $0x3  }
0x94: {  	_ =	strace s2  }
0x95: {  	s2 =	sld [smem:$0x3FFD];
	_ =	sdelay $0x3  }
0x96: {  	_ =	strace s2  }
0x97: {  	_ =	strace $0x8FFFFFFF  }
0x98: {  	s18 =	sld [smem:$0x3FDB];
	_ =	sdelay $0x1  }
0x99: {  	s19 =	simm.s32 $_scs_section_size  }
0x9a: {  	s4 =	simm.s32 $_size__tile_overlayer_lowered;
	s5 =	simm.s32 $_tile_overlayer_lowered  }
0x9b: {  	s22 =	simm.s32 $0x1BFF;
	s21 =	sshll.u32 s5, $0x1;
	s2 =	sadd.s32 s19, s18  }
0x9c: {  	s6 =	simm.s32 $0x0;
	s20 =	sshll.u32 s4, $0x1;
	s4 =	sadd.s32 s21, s2  }
0x9d: {  	[timem:s6], [sflag:s22] =	dma.local [hbm:s4], s20  }
0x9e: {  	_ =	swait.ge [sflag:s22], s20  }
0x9f: {  	s3 =	ssub.s32 $0x0, s20;
	[sflag:s22] =	ssyncset.done $0x0  }
0xa0: {  	[sflag:s22] =	ssyncadd.s32 s3;
	_ =	sdelay $0x1  }
0xa1: {  	s23 =	simm.s32 $0x1B8B  }
0xa2: {  	_ =	swait.ge [sflag:s23], $0x1  }
0xa3: {  	[sflag:s23] =	ssyncset.done $0x0  }
0xa4: {  	s25 =	simm.s32 $0x1B8E;
	s24 =	sld [smem:$0x3FFE];
	[sflag:s23] =	ssyncadd.s32 $0xFFFFFFFF  }
0xa5: {  	s26 =	simm.s32 $execute0_lowered;
	[smem:$0x3FD2] =	sst s25  }
0xa6: {  	s4 =	sshll.u32 s26, $0x1;
	_ =	strace $0x80000049;
	[dreg:$0x1] =	wrdreg $0xFFFFFFFF  }
0xa7: {  	s28 =	simm.s32 $_size_execute0_lowered;
	s2 =	sadd.s32 s2, s4;
	[dreg:$0x0] =	wrdreg $0x0  }
0xa8: {  	s4 =	sshll.u32 s28, $0x1;
	[dreg:$0x2] =	wrdreg s2  }
0xa9: {  	[dreg:$0x3] =	wrdreg s4  }
0xaa: {  	[dreg:$0x4] =	wrdreg $0xC0  }
0xab: {  	_ =	task [dreg:s6], $0x5FFFF  }
0xac: {  	[dreg:$0x1] =	wrdreg $0xFFFFFFFF  }
0xad: {  	[dreg:$0x0] =	wrdreg $0x60  }
0xae: {  	[dreg:$0x2] =	wrdreg s24  }
0xaf: {  	[dreg:$0x3] =	wrdreg $0x9  }
0xb0: {  	_ =	task.clear_ibuf [dreg:s6], $0x4FFFF;
	_ =	strace $0x90000049  }
0xb1: {  	s29 =	simm.s32 $0x9;
	_ =	strace $0x8000004B  }
0xb2: {  	_ =	swait.ge [sflag:s29], $0x1  }
0xb3: {  	[sflag:s29] =	ssyncadd.s32 $0xFFFFFFFF  }
0xb4: {  	_ =	strace $0x9000004B  }
0xb5: {  	_ =	sfence  }
0xb6: {  	s30 =	sld [smem:$0x0];
	_ =	sdelay $0x2  }
0xb7: {  	s31 =	sshll.u32 s1, $0xD;
	s1 =	sshrl.u32 s1, $0x2  }
0xb8: {  	s3 =	sand.u32 $0x4000, s31;
	s1 =	sadd.s32 s1, s30  }
0xb9: {  	s0 =	sor.u32 s3, s0;
	s1 =	sshll.u32 s1, $0x11  }
0xba: {  	s0 =	sor.u32 s1, s0  }
0xbb: {  	s0 =	sadd.s32 $0x8F2B, s0  }
0xbc: {  	[sflag:s0] =	ssyncadd.remote.s32 $0x1  }
0xbd: {  	_ =	sfence.sel $0xFFFF  }
0xbe: {  	[dreg:$0x0] =	wrdreg $0xFFFFFFFF;
	(pc) =	sbr.abs _section_cstart, $3  }
0xbf: {  	[dreg:$0x1] =	wrdreg $0xFFFFFFFF  }
0xc0: {  	_ =	task.clear_ibuf [dreg:s6], $0x2FFFF;
	_ =	strace $0x9FFFFFFF  }
0xc1: {  	(tm) =	ssettm $0x7FFFFFFF  }
tec
execute0_lowered:
.L_overlay_start_1:
0x0: {  	(tag) =	ssettag $0x1  }
0x1: {  	s0 =	stileid.u32;
	s1 =	srdreg.scid  }
0x2: {  	s1 =	sand.u32 $0x1, s1;
	s2 =	sshll.u32 s0, $0x1  }
0x3: {  	s1 =	sor.u32 s2, s1  }
0x4: {  	s2 =	smul.u32 $0x7D00, s1;
	_ =	sdelay $0x1  }
0x5: {  	s6 =	ssub.s32 $0x1F4000, s2  }
0x6: {  	s31 =	smulhi.u32 $0x83127, s6  }
0x7: {  	s3 =	rddreg [dreg:$0x0];
	s5 =	simm.s32 $0x1  }
0x8: {  	s9 =	simm.s32 $0x3;
	s10 =	simm.s32 $0x0;
	s7 =	sshrl.u32 s31, $0x7  }
0x9: {  	s13 =	simm.s32 $0x0;
	s12 =	simm.s32 $0x0;
	s8 =	smul.u32 $0xFA000, s7  }
.Ltmp0:
0xa: {  	s4 =	sadd.s32 $0x11C6000, s3;
	s1 =	rddreg [dreg:$0x1];
	(pc) =	sbr.rel .LBB2_1-.Ltmp0, $4  }
0xb: {  	_ =	strace $0x8000004A;
	p0 =	sne.s32 s6, s8;
	s8 =	simm.s32 $0x1  }
0xc: {  	[sflag:s5] =	ssyncpa.u1 $0x0;
	s6 =	simm.s32 $0x2;
	s8 =	simm.s32 @!p0 $0x0  }
0xd: {  	s11 =	smov.u32 s2;
	[sflag:s6] =	ssyncpa.u1 $0x0;
	s7 =	sadd.s32 s8, s7  }
0xe: {  	vm0 =	vmmov $0xffff;
	s8 =	sadd.s32 $0x7E800, s3;
	[sflag:s9] =	ssyncpa.u1 $0x0;
	s9 =	sadd.s32 $0x1, s7  }
.LBB2_4:
0xf: {  	vm1 =	veq.s32 v0, $0x80000000;
	v63 =	vand.u32 $0x3FF, v0;
	v2 =	vand.u32 $0x7FFF, v2  }
0x10: {  	v0 =	vsel vm1, $0xFFFFFFFF, v63;
	v2 =	vsel vm1, $0xFFFFFFFF, v2  }
0x11: {  	v3 =	vshll.u32 v2, $0xA;
	v4 =	vshll.u32 v0, $0x3  }
0x12: {  	v2 =	vshll.u32 v2, $0x7;
	v3 =	vand.u32 $0xFFFFE000, v3;
	v4 =	vand.u32 $0xFFFFFC00, v4  }
0x13: {  	v2 =	vand.u32 $0x380, v2;
	v3 =	vadd.s32 v4, v3  }
0x14: {  	v0 =	vand.u32 $0x7F, v0;
	v2 =	vor.u32 v2, v3  }
0x15: {  	v0 =	vor.u32 v0, v2;
	_ =	sdelay $0x1  }
0x16: {  	(ifvalue) =	ssetifvalue $0x7FFFFFFF;
	s15 =	sadd.s32 $0x10, s15  }
0x17: {  	[tilespmem:s15], [sflag:$0x1] =	stream.indirect_vreg.gather [hbm4b:s4+s10], $0x1, v1, vm0, $0x4038;
	[tilespmem:$0x1F400] =	vst v63  }
0x18: {  	(ifvalue) =	ssetifvalue $0x7FFFFFFF;
	s15 =	sadd.s32 $0x10, s15  }
0x19: {  	[tilespmem:s15], [sflag:$0x1] =	stream.indirect_vreg.gather [hbm4b:s4+s10], $0x1, v0, vm0, $0x4038;
	[tilespmem:$0x1F400] =	vst v63  }
0x1a: {  	_ =	swait.ge [sflag:s5], $0x7D00  }
0x1b: {  	s30 =	sshrl.u32 s13, $0x3;
	[sflag:s5] =	ssyncset.done $0x0  }
0x1c: {  	s31 =	sand.u32 $0x7, s13;
	s15 =	sadd.s32 s8, s30;
	[sflag:s5] =	ssyncadd.s32 $0xFFFF8300  }
0x1d: {  	[hbm4b:s15+s31] =	stream.linear.scatter [tilespmem:s14], [sflag:$0x3], $0x7D00, $0x38;
	[tilespmem:$0x1F400] =	vst v63  }
.LBB2_5:
0x1e: {  	s15 =	sadd.s32 $0xFA000, s11  }
0x1f: {  	p1 =	sgt.s32 s15, $0x1F3FFF  }
0x20: {  	s15 =	smov.u32 @p1 s2;
	p1 =	sne.s32 s12, s9  }
.Ltmp1:
0x21: {  	p0 =	slt.u32 s12, $0x2;
	(pc) =	sbr.rel @!p1 .LBB2_6-.Ltmp1, $4  }
0x22: {  	s14 =	simm.s32 @!p0 $0x3  }
0x23: {  	_ =	swait.ge @!p0 [sflag:s14], $0x7D00  }
0x24: {  	s16 =	sadd.s32 $0x1, s12;
	s13 =	smov.u32 s11;
	[sflag:s14] =	ssyncset.done @!p0 $0x0  }
0x25: {  	s12 =	smov.u32 s16;
	s11 =	smov.u32 s15;
	[sflag:s14] =	ssyncadd.s32 @!p0 $0xFFFF8300  }
.LBB2_1:
0x26: {  	p0 =	sge.u32 s12, s7  }
0x27: {  	s14 =	sxor.u32 @!p0 $0xFFFFFFFF, s12  }
0x28: {  	s14 =	sand.u32 @!p0 $0x1, s14  }
0x29: {  	s14 =	smul.u32 @!p0 $0x1F400, s14  }
0x2a: {  	s31 =	sadd.s32 $0xFFFFFFFF, s12;
	s15 =	sshrl.u32 @!p0 s11, $0x3  }
0x2b: {  	s16 =	sand.u32 @!p0 $0x7, s11;
	s15 =	sadd.s32 @!p0 s3, s15;
	s14 =	sshrl.u32 @!p0 s14, $0x2  }
0x2c: {  	[tilespmem:s14], [sflag:$0x2] =	stream.linear.gather @!p0 [hbm4b:s15+s16], $0x7D00, $0x38;
	[tilespmem:$0x1F400] =	vst v63  }
0x2d: {  	p0 =	sge.u32 s31, s7  }
.Ltmp2:
0x2e: {  	_ = 	snop;
	(pc) =	sbr.rel @p0 .LBB2_5-.Ltmp2, $1  }
0x2f: {  	_ =	sdelay $0x3  }
0x30: {  	s14 =	sand.u32 $0x1, s12  }
0x31: {  	_ =	swait.ge [sflag:s6], $0x7D00;
	p0 =	seq.s32 s14, $0x1;
	s14 =	simm.s32 $0x7D00  }
0x32: {  	[sflag:s6] =	ssyncset.done $0x0;
	s14 =	simm.s32 @!p0 $0x0  }
0x33: {  	[sflag:s6] =	ssyncadd.s32 $0xFFFF8300;
	(ifvalue) =	ssetifvalue $0x7FFFFFFF;
	v0 =	vld.msk [tilespmem:s14+$0x0 ss:$0x1], $0xffff;
	_ =	sdelay $0x4  }
0x34: {  	s15 =	sadd.s32 $0x10, s14;
	v1 =	vshrl.u32 v0, $0xA  }
0x35: {  	v2 =	vld.msk [tilespmem:s15+$0x0 ss:$0x1], $0xffff;
	vm1 =	veq.s32 v0, $0x80000000;
	v0 =	vand.u32 $0x3FF, v0;
	v1 =	vand.u32 $0x7FFF, v1  }
0x36: {  	v0 =	vsel vm1, $0xFFFFFFFF, v0;
	v1 =	vsel vm1, $0xFFFFFFFF, v1  }
0x37: {  	v4 =	vshll.u32 v0, $0x3;
	v3 =	vshll.u32 v1, $0xA  }
0x38: {  	v4 =	vand.u32 $0xFFFFFC00, v4;
	v1 =	vshll.u32 v1, $0x7;
	v3 =	vand.u32 $0xFFFFE000, v3  }
0x39: {  	v0 =	vand.u32 $0x7F, v0;
	v1 =	vand.u32 $0x380, v1;
	v3 =	vadd.s32 v4, v3  }
0x3a: {  	vm1 =	veq.s32 v2, $0x80000000;
	v1 =	vor.u32 v1, v3;
	v3 =	vshrl.u32 v2, $0xA  }
0x3b: {  	s15 =	sadd.s32 $0x10, s15;
	v2 =	vand.u32 $0x3FF, v2;
	v1 =	vor.u32 v0, v1;
	v3 =	vand.u32 $0x7FFF, v3  }
0x3c: {  	v0 =	vld.msk [tilespmem:s15+$0x0 ss:$0x1], $0xffff;
	v2 =	vsel vm1, $0xFFFFFFFF, v2;
	v3 =	vsel vm1, $0xFFFFFFFF, v3  }
0x3d: {  	v5 =	vshll.u32 v2, $0x3;
	v63 =	vshll.u32 v3, $0xA  }
0x3e: {  	v5 =	vand.u32 $0xFFFFFC00, v5;
	v3 =	vshll.u32 v3, $0x7;
	v4 =	vand.u32 $0xFFFFE000, v63  }
0x3f: {  	s14 =	sadd.s32 $0xFA00, s14;
	(ifvalue) =	ssetifvalue $0x7FFFFFFF;
	v3 =	vand.u32 $0x380, v3;
	v4 =	vadd.s32 v5, v4  }
0x40: {  	[tilespmem:s14], [sflag:$0x1] =	stream.indirect_vreg.gather [hbm4b:s4+s10], $0x1, v1, vm0, $0x4038;
	v1 =	vand.u32 $0x7F, v2;
	v3 =	vor.u32 v3, v4;
	[tilespmem:$0x1F400] =	vst v63  }
0x41: {  	s16 =	simm.s32 $0x20;
	s17 =	sadd.s32 $0x10, s15;
	s15 =	smov.u32 s14;
	v2 =	vshrl.u32 v0, $0xA;
	v1 =	vor.u32 v1, v3  }
.LBB2_3:
0x42: {  	s16 =	sadd.s32 $0x10, s16;
	vm1 =	veq.s32 v0, $0x80000000;
	v3 =	vand.u32 $0x3FF, v0;
	v0 =	vld.msk [tilespmem:s17+$0x0 ss:$0x1], $0xffff;
	v2 =	vand.u32 $0x7FFF, v2  }
0x43: {  	p0 =	slt.u32 s16, $0x7CF0;
	v3 =	vsel vm1, $0xFFFFFFFF, v3;
	v2 =	vsel vm1, $0xFFFFFFFF, v2  }
.Ltmp3:
0x44: {  	v4 =	vshll.u32 v2, $0xA;
	v5 =	vshll.u32 v3, $0x3;
	(pc) =	sbr.rel @p0 .LBB2_3-.Ltmp3, $4  }
0x45: {  	s15 =	sadd.s32 $0x10, s15;
	v2 =	vshll.u32 v2, $0x7;
	v4 =	vand.u32 $0xFFFFE000, v4;
	v5 =	vand.u32 $0xFFFFFC00, v5;
	(ifvalue) =	ssetifvalue $0x7FFFFFFF  }
0x46: {  	v2 =	vand.u32 $0x380, v2;
	v4 =	vadd.s32 v5, v4;
	[tilespmem:s15], [sflag:$0x1] =	stream.indirect_vreg.gather [hbm4b:s4+s10], $0x1, v1, vm0, $0x4038;
	[tilespmem:$0x1F400] =	vst v63  }
0x47: {  	v1 =	vand.u32 $0x7F, v3;
	v3 =	vor.u32 v2, v4  }
0x48: {  	s17 =	sadd.s32 $0x10, s17;
	v2 =	vshrl.u32 v0, $0xA;
	v1 =	vor.u32 v1, v3  }
.Ltmp4:
0x49: {  	_ = 	snop;
	(pc) =	sbr.rel .LBB2_4-.Ltmp4, $1  }
0x4a: {  	_ =	sdelay $0x3  }
.LBB2_6:
0x4b: {  	_ =	sfence.sel $0x180000  }
0x4c: {  	s2 =	simm.s32 $0x2;
	[bflag:$0x0] =	sbarrier.arrive $0xFFFF  }
0x4d: {  	s30 =	simm.s32 $0x3;
	[sflag:s2] =	ssyncpa.u1 $0x1  }
0x4e: {  	s31 =	simm.s32 $0x1;
	[sflag:s30] =	ssyncpa.u1 $0x1  }
0x4f: {  	[sflag:s31] =	ssyncpa.u1 $0x1  }
0x50: {  	p0 =	sne.s32 s0, $0x0;
	_ =	strace $0x9000004A  }
0x51: {  	s0 =	sadd.s32 @!p0 $0x100000, s1;
	[bflag:$0x2] =	sbarrier.arrive $0xFFFF  }
0x52: {  	[sflag:s0] =	ssyncadd.tile.s32 @!p0 $0x1;
	_ =	shalt  }
.Lfunc_end2:
_tile_overlayer_lowered:
.L_overlay_start_2:
0x53: {  	(tag) =	ssettag $0x2  }
0x54: {  	s0 =	rddreg [dreg:$0x0];
	s2 =	stileid.u32  }
0x55: {  	s1 =	rddreg [dreg:$0x1];
	p0 =	sne.s32 s2, $0x0  }
0x56: {  	s3 =	rddreg [dreg:$0x2];
	[bflag:$0x3] =	sbarrier.arrive $0xFFFF;
	s2 =	simm.s32 @!p0 $0x1C01  }
0x57: {  	[timem:s3], [sflag:s2] =	dma.local @!p0 [hbm:s0], s1  }
0x58: {  	s0 =	simm.s32 @!p0 $0x1  }
0x59: {  	_ =	swait.ge @!p0 [sflag:s0], s1  }
0x5a: {  	s1 =	ssub.s32 @!p0 $0x0, s1;
	[sflag:s0] =	ssyncset.done @!p0 $0x0  }
0x5b: {  	[sflag:s0] =	ssyncadd.s32 @!p0 s1  }
0x5c: {  	[bflag:$0x3] =	sbarrier.arrive $0xFFFF  }
0x5d: {  	_ =	shalt  }

// kernel: sparse-core-data-format-call.cloned.1.call-start
scs
called_computation_lowered:
.L_overlay_start_0:
0x0: {  	s1 =	sld [smem:$0x3FD9]  }
0x1: {  	s2 =	sld [smem:$0x3FFE];
	_ =	sdelay $0x1  }
0x2: {  	s3 =	srdreg.scid  }
0x3: {  	s0 =	sand.u32 $0x1, s3  }
0x4: {  	s17 =	sshll.u32 s0, $0xA;
	s1 =	sadd.s32 s2, s1  }
0x5: {  	s1 =	sadd.s32 s1, s17  }
0x6: {  	[smem:$0x3FC5] =	sst s1  }
0x7: {  	_ = 	snop  }
0x8: {  	(tm) =	ssettm $0x1  }
0x9: {  	s18 =	sld [smem:$0x3FFB];
	_ =	sdelay $0x3  }
0xa: {  	_ =	strace s18  }
0xb: {  	s1 =	sld [smem:$0x3FFC];
	_ =	sdelay $0x3  }
0xc: {  	_ =	strace s1  }
0xd: {  	s1 =	sld [smem:$0x3FFD];
	_ =	sdelay $0x3  }
0xe: {  	_ =	strace s1  }
0xf: {  	_ =	strace $0x8FFFFFFF  }
0x10: {  	s19 =	sld [smem:$0x3FDB];
	_ =	sdelay $0x1  }
0x11: {  	s20 =	simm.s32 $_scs_section_size  }
0x12: {  	s4 =	simm.s32 $_size__tile_overlayer_lowered;
	s5 =	simm.s32 $_tile_overlayer_lowered  }
0x13: {  	s23 =	simm.s32 $0x1BFF;
	s22 =	sshll.u32 s5, $0x1;
	s1 =	sadd.s32 s20, s19  }
0x14: {  	s6 =	simm.s32 $0x0;
	s21 =	sshll.u32 s4, $0x1;
	s4 =	sadd.s32 s22, s1  }
0x15: {  	[timem:s6], [sflag:s23] =	dma.local [hbm:s4], s21  }
0x16: {  	_ =	swait.ge [sflag:s23], s21  }
0x17: {  	s2 =	ssub.s32 $0x0, s21;
	[sflag:s23] =	ssyncset.done $0x0  }
0x18: {  	[sflag:s23] =	ssyncadd.s32 s2;
	_ =	sdelay $0x1  }
0x19: {  	s24 =	simm.s32 $0x1B8B  }
0x1a: {  	_ =	swait.ge [sflag:s24], $0x1  }
0x1b: {  	[sflag:s24] =	ssyncset.done $0x0  }
0x1c: {  	s26 =	simm.s32 $0x1B8E;
	s25 =	sld [smem:$0x3FFE];
	[sflag:s24] =	ssyncadd.s32 $0xFFFFFFFF  }
0x1d: {  	s27 =	simm.s32 $execute0_lowered;
	[smem:$0x3FD2] =	sst s26  }
0x1e: {  	s4 =	sshll.u32 s27, $0x1;
	_ =	strace $0x80000046;
	[dreg:$0x1] =	wrdreg $0xFFFFFFFF  }
0x1f: {  	s28 =	simm.s32 $_size_execute0_lowered;
	s1 =	sadd.s32 s1, s4;
	[dreg:$0x0] =	wrdreg $0x0  }
0x20: {  	s4 =	sshll.u32 s28, $0x1;
	[dreg:$0x2] =	wrdreg s1  }
0x21: {  	[dreg:$0x3] =	wrdreg s4  }
0x22: {  	[dreg:$0x4] =	wrdreg $0xC0  }
0x23: {  	_ =	task [dreg:s6], $0x5FFFF  }
0x24: {  	[dreg:$0x1] =	wrdreg $0xFFFFFFFF  }
0x25: {  	[dreg:$0x0] =	wrdreg $0x60  }
0x26: {  	[dreg:$0x2] =	wrdreg s25  }
0x27: {  	[dreg:$0x3] =	wrdreg $0x9  }
0x28: {  	_ =	task.clear_ibuf [dreg:s6], $0x4FFFF;
	_ =	strace $0x90000046  }
0x29: {  	s29 =	simm.s32 $0x9;
	_ =	strace $0x80000048  }
0x2a: {  	_ =	swait.ge [sflag:s29], $0x1  }
0x2b: {  	[sflag:s29] =	ssyncadd.s32 $0xFFFFFFFF  }
0x2c: {  	_ =	strace $0x90000048  }
0x2d: {  	_ =	sfence  }
0x2e: {  	s30 =	sld [smem:$0x0];
	_ =	sdelay $0x2  }
0x2f: {  	s31 =	sshll.u32 s3, $0xD;
	s3 =	sshrl.u32 s3, $0x2  }
0x30: {  	s2 =	sand.u32 $0x4000, s31;
	s1 =	sadd.s32 s3, s30  }
0x31: {  	s0 =	sor.u32 s2, s0;
	s1 =	sshll.u32 s1, $0x11  }
0x32: {  	s0 =	sor.u32 s1, s0  }
0x33: {  	s0 =	sadd.s32 $0x8F2B, s0  }
0x34: {  	[sflag:s0] =	ssyncadd.remote.s32 $0x1  }
0x35: {  	_ =	sfence.sel $0xFFFF  }
0x36: {  	[dreg:$0x0] =	wrdreg $0xFFFFFFFF;
	(pc) =	sbr.abs _section_cstart, $3  }
0x37: {  	[dreg:$0x1] =	wrdreg $0xFFFFFFFF  }
0x38: {  	_ =	task.clear_ibuf [dreg:s6], $0x2FFFF;
	_ =	strace $0x9FFFFFFF  }
0x39: {  	(tm) =	ssettm $0x7FFFFFFF  }
tec
execute0_lowered:
.L_overlay_start_1:
0x0: {  	(tag) =	ssettag $0x1  }
0x1: {  	s5 =	rddreg [dreg:$0x0];
	s1 =	stileid.u32  }
0x2: {  	s0 =	rddreg [dreg:$0x1];
	s2 =	srdreg.scid  }
0x3: {  	_ =	strace $0x80000047;
	s31 =	simm.s32 $0x2;
	s15 =	simm.s32 $0x0  }
0x4: {  	s11 =	simm.s32 $0x2000;
	s17 =	simm.s32 $0x0;
	s12 =	simm.s32 $0x0  }
0x5: {  	s18 =	simm.s32 $0x0;
	s13 =	simm.s32 $0x0;
	s3 =	sshll.u32 s1, $0x6  }
0x6: {  	s16 =	simm.s32 $0x0;
	s4 =	sshll.u32 s2, $0x7;
	s2 =	sand.u32 $0x380, s3  }
0x7: {  	s3 =	sand.u32 $0x80, s4;
	s4 =	sand.u32 $0x1, s1;
	s6 =	ssub.s32 $0x400, s2  }
0x8: {  	s8 =	sadd.s32 s3, s5;
	s7 =	ssub.s32 $0x64, s4;
	s5 =	sadd.s32 $0xF55000, s5  }
0x9: {  	s30 =	sshll.u32 s2, $0x5;
	s9 =	sand.u32 $0x380, s6;
	s10 =	sshrl.u32 s7, $0x1  }
0xa: {  	s7 =	sand.u32 $0x1, s7;
	p0 =	sne.s32 s9, $0x0;
	s9 =	simm.s32 $0x1  }
.Ltmp0:
0xb: {  	s6 =	sshrl.u32 s6, $0xA;
	s9 =	simm.s32 @!p0 $0x0;
	(pc) =	sbr.rel .LBB1_1-.Ltmp0, $4  }
0xc: {  	s14 =	smov.u32 s4;
	s7 =	sadd.s32 s7, s10;
	s9 =	sadd.s32 s9, s6  }
0xd: {  	s8 =	sadd.s32 s30, s8;
	s6 =	simm.s32 $0x1;
	s7 =	smul.u32 s7, s9  }
0xe: {  	s8 =	sadd.s32 $0xC35000, s8;
	s10 =	simm.s32 $0x400;
	[sflag:s6] =	ssyncpa.u1 $0x0  }
0xf: {  	p0 =	por $0x0, $0x0;
	[sflag:s31] =	ssyncpa.u1 $0x0;
	s9 =	sadd.s32 $0x1, s7  }
.LBB1_4:
0x10: {  	v5 =	vld [tilespmem:s20+$0xFFFFFFD0];
	[tilespmem:s22+$0x2040 ss:$0x81] =	vst.msk $0xffff, v2  }
0x11: {  	v58 =	vld [tilespmem:s20+$0xFFFFFFE0];
	[tilespmem:s22+$0x2850 ss:$0x81] =	vst.msk $0xffff, v3  }
0x12: {  	s23 =	sshra.s32 s23, $0x2;
	v59 =	vld [tilespmem:s20+$0xFFFFFFF0];
	[tilespmem:s22+$0x3060 ss:$0x81] =	vst.msk $0xffff, v4;
	p1 =	sgt.s32 s13, $0x63  }
0x13: {  	v60 =	vld [tilespmem:s20+$0x0];
	[tilespmem:s22+$0x0 ss:$0x81] =	vst.msk $0xffff, v0;
	s22 =	smov.u32 s13;
	s27 =	sshra.s32 s13, $0x1F;
	s21 =	sadd.s32 s23, s21  }
0x14: {  	v61 =	vld [tilespmem:s20+$0x10];
	s22 =	simm.s32 @!p1 $0x63;
	s23 =	sand.u32 s27, s13;
	[tilespmem:s21+$0x3870 ss:$0x81] =	vst.msk $0xffff, v1  }
0x15: {  	v62 =	vld [tilespmem:s20+$0x20];
	p1 =	sgt.s32 s12, $0x48;
	s22 =	ssub.s32 s22, s23;
	s23 =	smov.u32 s12;
	[tilespmem:s21+$0x810 ss:$0x81] =	vst.msk $0xffff, v5  }
0x16: {  	v63 =	vld [tilespmem:s20+$0xFFFFFFC0];
	s28 =	sadd.s32 $0xFFFFFF9D, s22;
	s23 =	simm.s32 @!p1 $0x48;
	[tilespmem:s21+$0x1020 ss:$0x81] =	vst.msk $0xffff, v58  }
0x17: {  	s20 =	ssub.s32 $0x64, s22;
	p1 =	sgt.s32 s28, $0x0;
	s29 =	sshll.u32 s23, $0x7;
	[tilespmem:s21+$0x1830 ss:$0x81] =	vst.msk $0xffff, v59  }
0x18: {  	s30 =	smul.u32 $0x6400, s13;
	[tilespmem:s21+$0x2040 ss:$0x81] =	vst.msk $0xffff, v60;
	s20 =	simm.s32 @p1 $0x0;
	s22 =	ssub.s32 $0x6400, s29  }
0x19: {  	s18 =	sadd.s32 s5, s18;
	[tilespmem:s21+$0x2850 ss:$0x81] =	vst.msk $0xffff, v61;
	s20 =	smul.u32 s20, s22  }
0x1a: {  	s31 =	sshll.u32 s12, $0x7;
	s18 =	sadd.s32 s30, s18;
	[tilespmem:s21+$0x3060 ss:$0x81] =	vst.msk $0xffff, v62  }
0x1b: {  	s18 =	sadd.s32 s31, s18;
	[tilespmem:s21+$0x0 ss:$0x81] =	vst.msk $0xffff, v63;
	s20 =	sand.u32 $0x3FFFFF80, s20  }
0x1c: {  	[hbm4b:s18+s10] =	stream.strided.scatter [tilespmem:s19], [sflag:$0x2], s20, s11, s10, $0x20;
	[tilespmem:$0x10100] =	vst v63  }
.LBB1_5:
0x1d: {  	p1 =	slt.u32 s16, $0x2  }
0x1e: {  	p2 =	sgt.s32 @!p1 s17, $0x63  }
0x1f: {  	s18 =	smov.u32 s17;
	s19 =	sshra.s32 @!p1 s17, $0x1F;
	p2 =	por !p2, p1  }
0x20: {  	s17 =	sand.u32 @!p1 s19, s17;
	s18 =	simm.s32 @p2 $0x63  }
0x21: {  	p2 =	sgt.s32 @!p1 s15, $0x48;
	s17 =	ssub.s32 @!p1 s18, s17  }
0x22: {  	s21 =	sadd.s32 $0x1, s16;
	p2 =	por !p2, p1;
	s18 =	sadd.s32 @!p1 $0xFFFFFF9D, s17  }
0x23: {  	s19 =	sadd.s32 $0x2, s14;
	s15 =	simm.s32 @p2 $0x48;
	p2 =	sgt.s32 @!p1 s18, $0x0  }
0x24: {  	s17 =	ssub.s32 @!p1 $0x64, s17;
	s15 =	sshll.u32 @!p1 s15, $0x7;
	p2 =	por !p2, p1  }
0x25: {  	s15 =	ssub.s32 @!p1 $0x6400, s15;
	s17 =	simm.s32 @!p2 $0x0;
	p2 =	sgt.s32 s19, $0x63  }
0x26: {  	s15 =	smul.u32 @!p1 s17, s15;
	s19 =	smov.u32 @p2 s4;
	p2 =	sne.s32 s16, s9  }
.Ltmp1:
0x27: {  	p0 =	por !p0, !p0;
	s18 =	simm.s32 @!p1 $0x2;
	(pc) =	sbr.rel @!p2 .LBB1_6-.Ltmp1, $4  }
0x28: {  	s17 =	smov.u32 s13;
	s13 =	smov.u32 s14;
	s15 =	sand.u32 @!p1 $0x3FFFFF80, s15  }
0x29: {  	s16 =	smov.u32 s21;
	s14 =	smov.u32 s19;
	_ =	swait.ge @!p1 [sflag:s18], s15  }
0x2a: {  	s20 =	ssub.s32 @!p1 $0x0, s15;
	s15 =	smov.u32 s12;
	[sflag:s18] =	ssyncset.done @!p1 $0x0  }
0x2b: {  	s12 =	smov.u32 s3;
	[sflag:s18] =	ssyncadd.s32 @!p1 s20;
	s18 =	smov.u32 s2  }
.LBB1_1:
0x2c: {  	p1 =	sge.u32 s16, s7  }
0x2d: {  	s31 =	sadd.s32 $0xFFFFFFFF, s16;
	s19 =	sxor.u32 @!p1 $0xFFFFFFFF, s16  }
0x2e: {  	s20 =	sshll.u32 @!p1 s14, $0xF;
	s21 =	simm.s32 @!p1 $0x400;
	s19 =	sshll.u32 @!p1 s19, $0xE  }
0x2f: {  	s22 =	simm.s32 @!p1 $0x800;
	s20 =	sadd.s32 @!p1 s20, s8;
	s19 =	sand.u32 @!p1 $0x4000, s19  }
0x30: {  	[tilespmem:s19], [sflag:$0x1] =	stream.strided.gather @!p1 [hbm4b:s20+s21], $0x4000, s22, s21, $0x38;
	[tilespmem:$0x10100] =	vst v63  }
0x31: {  	p1 =	sge.u32 s31, s7  }
.Ltmp2:
0x32: {  	_ = 	snop;
	(pc) =	sbr.rel @p1 .LBB1_5-.Ltmp2, $1  }
0x33: {  	_ =	sdelay $0x3  }
0x34: {  	s19 =	simm.s32 $0x1  }
0x35: {  	_ =	swait.ge [sflag:s6], $0x4000;
	s19 =	simm.s32 @!p0 $0x0  }
0x36: {  	[sflag:s6] =	ssyncset.done $0x0;
	s20 =	sshll.u32 s19, $0xE  }
0x37: {  	[sflag:s6] =	ssyncadd.s32 $0xFFFFC000;
	s20 =	sor.u32 $0x40, s20  }
0x38: {  	s19 =	smul.u32 $0x10200, s19;
	v0 =	vld [tilespmem:s20+$0x30]  }
0x39: {  	v1 =	vld [tilespmem:s20+$0xFFFFFFD0]  }
0x3a: {  	s19 =	sshrl.u32 s19, $0x2;
	v5 =	vld [tilespmem:s20+$0xFFFFFFE0]  }
0x3b: {  	v6 =	vld [tilespmem:s20+$0xFFFFFFF0];
	s21 =	sor.u32 $0x8000, s19  }
0x3c: {  	s31 =	sand.u32 $0x1, s16;
	v2 =	vld [tilespmem:s20+$0x0];
	s22 =	sadd.s32 $0x0, s21  }
0x3d: {  	v3 =	vld [tilespmem:s20+$0x10];
	s19 =	smul.u32 $0x10200, s31;
	[tilespmem:s22+$0x3870 ss:$0x81] =	vst.msk $0xffff, v0  }
0x3e: {  	v4 =	vld [tilespmem:s20+$0x20];
	[tilespmem:s22+$0x810 ss:$0x81] =	vst.msk $0xffff, v1  }
0x3f: {  	s19 =	sshrl.u32 s19, $0x2;
	v0 =	vld [tilespmem:s20+$0xFFFFFFC0];
	[tilespmem:s22+$0x1020 ss:$0x81] =	vst.msk $0xffff, v5;
	s20 =	sadd.s32 $0x80, s20  }
0x40: {  	s23 =	simm.s32 $0x4;
	s24 =	simm.s32 $0x8;
	s19 =	sor.u32 $0x8000, s19;
	[tilespmem:s22+$0x1830 ss:$0x81] =	vst.msk $0xffff, v6;
	v1 =	vld [tilespmem:s20+$0x30]  }
.LBB1_3:
0x41: {  	p1 =	sne.s32 s24, $0x1FC;
	v5 =	vld [tilespmem:s20+$0xFFFFFFD0];
	[tilespmem:s22+$0x2040 ss:$0x81] =	vst.msk $0xffff, v2  }
0x42: {  	v6 =	vld [tilespmem:s20+$0xFFFFFFE0];
	[tilespmem:s22+$0x2850 ss:$0x81] =	vst.msk $0xffff, v3  }
0x43: {  	s25 =	sshra.s32 s23, $0x2;
	s23 =	smov.u32 s24;
	v7 =	vld [tilespmem:s20+$0xFFFFFFF0];
	[tilespmem:s22+$0x3060 ss:$0x81] =	vst.msk $0xffff, v4  }
.Ltmp3:
0x44: {  	v2 =	vld [tilespmem:s20+$0x0];
	[tilespmem:s22+$0x0 ss:$0x81] =	vst.msk $0xffff, v0;
	s22 =	sadd.s32 s25, s21;
	(pc) =	sbr.rel @p1 .LBB1_3-.Ltmp3, $4  }
0x45: {  	v3 =	vld [tilespmem:s20+$0x10];
	[tilespmem:s22+$0x3870 ss:$0x81] =	vst.msk $0xffff, v1  }
0x46: {  	[tilespmem:s22+$0x810 ss:$0x81] =	vst.msk $0xffff, v5;
	v4 =	vld [tilespmem:s20+$0x20]  }
0x47: {  	v0 =	vld [tilespmem:s20+$0xFFFFFFC0];
	[tilespmem:s22+$0x1020 ss:$0x81] =	vst.msk $0xffff, v6;
	s20 =	sadd.s32 $0x80, s20  }
0x48: {  	s24 =	sadd.s32 $0x4, s24;
	v1 =	vld [tilespmem:s20+$0x30];
	[tilespmem:s22+$0x1830 ss:$0x81] =	vst.msk $0xffff, v7  }
.Ltmp4:
0x49: {  	_ = 	snop;
	(pc) =	sbr.rel .LBB1_4-.Ltmp4, $1  }
0x4a: {  	_ =	sdelay $0x3  }
.LBB1_6:
0x4b: {  	_ =	sfence.sel $0x180000  }
0x4c: {  	s2 =	simm.s32 $0x1;
	[bflag:$0x0] =	sbarrier.arrive $0xFFFF  }
0x4d: {  	s31 =	simm.s32 $0x2;
	[sflag:s2] =	ssyncpa.u1 $0x1  }
0x4e: {  	[sflag:s31] =	ssyncpa.u1 $0x1  }
0x4f: {  	p0 =	sne.s32 s1, $0x0;
	_ =	strace $0x90000047  }
0x50: {  	s0 =	sadd.s32 @!p0 $0x100000, s0;
	[bflag:$0x2] =	sbarrier.arrive $0xFFFF  }
0x51: {  	[sflag:s0] =	ssyncadd.tile.s32 @!p0 $0x1;
	_ =	shalt  }
.Lfunc_end1:
_tile_overlayer_lowered:
.L_overlay_start_2:
0x52: {  	(tag) =	ssettag $0x2  }
0x53: {  	s0 =	rddreg [dreg:$0x0];
	s2 =	stileid.u32  }
0x54: {  	s1 =	rddreg [dreg:$0x1];
	p0 =	sne.s32 s2, $0x0  }
0x55: {  	s3 =	rddreg [dreg:$0x2];
	[bflag:$0x3] =	sbarrier.arrive $0xFFFF;
	s2 =	simm.s32 @!p0 $0x1C01  }
0x56: {  	[timem:s3], [sflag:s2] =	dma.local @!p0 [hbm:s0], s1  }
0x57: {  	s0 =	simm.s32 @!p0 $0x1  }
0x58: {  	_ =	swait.ge @!p0 [sflag:s0], s1  }
0x59: {  	s1 =	ssub.s32 @!p0 $0x0, s1;
	[sflag:s0] =	ssyncset.done @!p0 $0x0  }
0x5a: {  	[sflag:s0] =	ssyncadd.s32 @!p0 s1  }
0x5b: {  	[bflag:$0x3] =	sbarrier.arrive $0xFFFF  }
0x5c: {  	_ =	shalt  }

</sc_bundles>
